<compile_context>
chip_gen: v7x
topology: tpu7x:2x2x1
jax: 0.10.2.dev20260603
libtpu: 0.0.44.dev20260713+nightly
codegen_flags: <defaults>
</compile_context>

<pallas_src>
import functools

import jax
import jax.numpy as jnp
from jax import lax
from jax.experimental import pallas as pl
from jax.experimental.pallas import tpu as pltpu
from jax.experimental.pallas import tpu_sc as plsc

TOTAL = 64 * 160000
NC, NS = 2, 16

SP_CH = 409600
SP_RB = 3
SP_K = 5
SP_PER_SC = SP_CH * SP_K
SP_TOTAL = SP_PER_SC * NC

NSW = (NS - 1) * NC
ST_TOTAL = TOTAL - SP_TOTAL
ST_PER_W = ST_TOTAL // NSW
ST_CH = 12800
ST_NCHUNK = ST_PER_W // ST_CH
ST_NBUF = 4

_mesh = plsc.VectorSubcoreMesh(core_axis_name="c", subcore_axis_name="s")


@functools.partial(
    pl.kernel,
    mesh=_mesh,
    out_type=jax.ShapeDtypeStruct((TOTAL,), jnp.float32),
    scratch_types=[
        pltpu.VMEM((ST_NBUF * ST_CH,), jnp.float32),
        pltpu.MemorySpace.VMEM_SHARED((SP_RB * SP_CH,), jnp.float32),
        pltpu.SemaphoreType.DMA,
        pltpu.SemaphoreType.DMA,
        pltpu.SemaphoreType.DMA,
        pltpu.SemaphoreType.DMA,
        pltpu.SemaphoreType.DMA,
        pltpu.SemaphoreType.DMA,
        pltpu.SemaphoreType.DMA,
        pltpu.SemaphoreType.DMA,
        pltpu.SemaphoreType.DMA,
        pltpu.SemaphoreType.DMA,
        pltpu.SemaphoreType.DMA,
        pltpu.SemaphoreType.DMA,
        pltpu.SemaphoreType.DMA,
        pltpu.SemaphoreType.DMA,
        pltpu.SemaphoreType.DMA,
        pltpu.SemaphoreType.DMA,
    ],
)
def _sc_copy(x_hbm, o_hbm, buf, spbuf, *sems):
    c = lax.axis_index("c")
    s = lax.axis_index("s")
    st_in_sems = sems[:ST_NBUF]
    st_out_sems = sems[ST_NBUF:2 * ST_NBUF]
    sp_in_sems = sems[2 * ST_NBUF:2 * ST_NBUF + SP_RB]
    sp_out_sems = sems[2 * ST_NBUF + SP_RB:2 * ST_NBUF + 2 * SP_RB]

    @pl.when(s == 0)
    def _spmem_path():
        spbase = c * SP_PER_SC

        def sp_in(k):
            return pltpu.make_async_copy(
                x_hbm.at[pl.ds(spbase + k * SP_CH, SP_CH)],
                spbuf.at[pl.ds((k % SP_RB) * SP_CH, SP_CH)], sp_in_sems[k % SP_RB])

        def sp_out(k):
            return pltpu.make_async_copy(
                spbuf.at[pl.ds((k % SP_RB) * SP_CH, SP_CH)],
                o_hbm.at[pl.ds(spbase + k * SP_CH, SP_CH)],
                sp_out_sems[k % SP_RB])

        for k in range(min(SP_RB, SP_K)):
            sp_in(k).start()
        for k in range(SP_K):
            sp_in(k).wait()
            sp_out(k).start()
            nxt = k + SP_RB
            if nxt < SP_K:
                sp_out(k).wait()
                sp_in(nxt).start()
        for k in range(max(0, SP_K - SP_RB), SP_K):
            sp_out(k).wait()

    @pl.when(s != 0)
    def _stream_path():
        swid = (s - 1) * NC + c
        base = SP_TOTAL + swid * ST_PER_W

        def st_in(k):
            return pltpu.make_async_copy(
                x_hbm.at[pl.ds(base + k * ST_CH, ST_CH)],
                buf.at[pl.ds((k % ST_NBUF) * ST_CH, ST_CH)], st_in_sems[k % ST_NBUF])

        def st_out(k):
            return pltpu.make_async_copy(
                buf.at[pl.ds((k % ST_NBUF) * ST_CH, ST_CH)],
                o_hbm.at[pl.ds(base + k * ST_CH, ST_CH)],
                st_out_sems[k % ST_NBUF])

        for k in range(ST_NBUF):
            st_in(k).start()
        for k in range(ST_NCHUNK):
            st_in(k).wait()
            st_out(k).start()
            nxt = k + ST_NBUF
            if nxt < ST_NCHUNK:
                st_out(k).wait()
                st_in(nxt).start()
        for k in range(ST_NCHUNK - ST_NBUF, ST_NCHUNK):
            st_out(k).wait()


def kernel(samples, sample_rate):
    x = samples.reshape(TOTAL)
    out = _sc_copy(x)
    return out.reshape(samples.shape)

# --- scband reference (transcript-rebuilt; emitter-appended) ---
"""Pipeline reference for scband-base-waveform-transform-45165876084750 (READ-ONLY COPY).

The authoritative reference and input builder live on the scoring server;
editing this copy changes nothing except your own understanding.
"""

import jax, jax.numpy as jnp
import numpy as np


def setup_inputs(seed: int = 0) -> dict:
    key = jax.random.key(seed)
    samples = jax.random.normal(key, (64, 1, 160000), dtype=jnp.float32)
    return {"samples": samples, "sample_rate": 16000}


def reference(samples, sample_rate):
    # BaseWaveformTransform.forward with p=0.0:
    # Bernoulli(0.0).sample() yields all-zeros -> should_apply is all False,
    # so apply_transform (which is NotImplemented in the base class) is never
    # invoked and the transform is an identity passthrough of the samples.
    batch_size = samples.shape[0]
    should_apply = jnp.zeros((batch_size,), dtype=jnp.bool_)  # Bernoulli(p=0) draws
    # should_apply.any() is False -> return input samples unchanged
    out = jnp.where(should_apply[:, None, None], samples, samples)
    return out

if __name__ == "__main__":
    import jax
    _d = setup_inputs()
    print(jax.jit(kernel)(*tuple(_d.values())))

</pallas_src>

<mosaic_0001>
#map = affine_map<(d0, d1) -> (0)>
module attributes {stable_mosaic.version = 14 : i64} {
  func.func @_sc_copy(%arg0: i32, %arg1: i32, %arg2: memref<10240000xf32, #tpu.memory_space<hbm>>, %arg3: memref<10240000xf32, #tpu.memory_space<hbm>>, %arg4: memref<51200xf32, #tpu.memory_space<vmem>>, %arg5: memref<1228800xf32, #tpu.memory_space<vmem_shared>>, %arg6: memref<!tpu.dma_semaphore, #tpu.memory_space<semaphore_mem>>, %arg7: memref<!tpu.dma_semaphore, #tpu.memory_space<semaphore_mem>>, %arg8: memref<!tpu.dma_semaphore, #tpu.memory_space<semaphore_mem>>, %arg9: memref<!tpu.dma_semaphore, #tpu.memory_space<semaphore_mem>>, %arg10: memref<!tpu.dma_semaphore, #tpu.memory_space<semaphore_mem>>, %arg11: memref<!tpu.dma_semaphore, #tpu.memory_space<semaphore_mem>>, %arg12: memref<!tpu.dma_semaphore, #tpu.memory_space<semaphore_mem>>, %arg13: memref<!tpu.dma_semaphore, #tpu.memory_space<semaphore_mem>>, %arg14: memref<!tpu.dma_semaphore, #tpu.memory_space<semaphore_mem>>, %arg15: memref<!tpu.dma_semaphore, #tpu.memory_space<semaphore_mem>>, %arg16: memref<!tpu.dma_semaphore, #tpu.memory_space<semaphore_mem>>, %arg17: memref<!tpu.dma_semaphore, #tpu.memory_space<semaphore_mem>>, %arg18: memref<!tpu.dma_semaphore, #tpu.memory_space<semaphore_mem>>, %arg19: memref<!tpu.dma_semaphore, #tpu.memory_space<semaphore_mem>>, %arg20: memref<!tpu.dma_semaphore, #tpu.memory_space<semaphore_mem>>, %arg21: memref<!tpu.dma_semaphore, #tpu.memory_space<semaphore_mem>>) attributes {dimension_semantics = [#tpu.dimension_semantics<core_parallel>, #tpu.dimension_semantics<subcore_parallel>], iteration_bounds = array<i64: 2, 16>, scalar_prefetch = 0 : i64, scratch_operands = 18 : i64, tpu.core_type = #tpu.core_type<sc_vector_subcore>, window_params = [{transform_indices = #map}, {transform_indices = #map}]} {
    %eq3A = arith.constant 0 : i32
    %eq3A_0 = arith.cmpi eq, %arg1, %eq3A : i32
    %convert_element_type3A = arith.extui %eq3A_0 : i1 to i32
    %cond3A = arith.constant 0 : i32
    %cond3A_1 = arith.cmpi ne, %convert_element_type3A, %cond3A : i32
    scf.if %cond3A_1 {
      %mul3A = arith.constant 2048000 : i32
      %mul3A_6 = arith.muli %arg0, %mul3A : i32
      %add3A = arith.constant 0 : i32
      %add3A_7 = arith.addi %mul3A_6, %add3A : i32
      %dma_start3A = arith.constant 0 : i32
      %dma_start3A_8 = tpu.memref_slice %arg5[%dma_start3A] : memref<1228800xf32, #tpu.memory_space<vmem_shared>> -> memref<409600xf32, #tpu.memory_space<vmem_shared>>
      %dma_start3A_9 = tpu.memref_slice %arg2[%add3A_7] : memref<10240000xf32, #tpu.memory_space<hbm>> -> memref<409600xf32, #tpu.memory_space<hbm>>
      tpu.enqueue_dma source(%dma_start3A_9 : memref<409600xf32, #tpu.memory_space<hbm>>) target(%dma_start3A_8 : memref<409600xf32, #tpu.memory_space<vmem_shared>>) target_semaphore(%arg14 : memref<!tpu.dma_semaphore, #tpu.memory_space<semaphore_mem>>)
      %add3A_10 = arith.constant 409600 : i32
      %add3A_11 = arith.addi %mul3A_6, %add3A_10 : i32
      %dma_start3A_12 = arith.constant 409600 : i32
      %dma_start3A_13 = tpu.memref_slice %arg5[%dma_start3A_12] : memref<1228800xf32, #tpu.memory_space<vmem_shared>> -> memref<409600xf32, #tpu.memory_space<vmem_shared>>
      %dma_start3A_14 = tpu.memref_slice %arg2[%add3A_11] : memref<10240000xf32, #tpu.memory_space<hbm>> -> memref<409600xf32, #tpu.memory_space<hbm>>
      tpu.enqueue_dma source(%dma_start3A_14 : memref<409600xf32, #tpu.memory_space<hbm>>) target(%dma_start3A_13 : memref<409600xf32, #tpu.memory_space<vmem_shared>>) target_semaphore(%arg15 : memref<!tpu.dma_semaphore, #tpu.memory_space<semaphore_mem>>)
      %add3A_15 = arith.constant 819200 : i32
      %add3A_16 = arith.addi %mul3A_6, %add3A_15 : i32
      %dma_start3A_17 = arith.constant 819200 : i32
      %dma_start3A_18 = tpu.memref_slice %arg5[%dma_start3A_17] : memref<1228800xf32, #tpu.memory_space<vmem_shared>> -> memref<409600xf32, #tpu.memory_space<vmem_shared>>
      %dma_start3A_19 = tpu.memref_slice %arg2[%add3A_16] : memref<10240000xf32, #tpu.memory_space<hbm>> -> memref<409600xf32, #tpu.memory_space<hbm>>
      tpu.enqueue_dma source(%dma_start3A_19 : memref<409600xf32, #tpu.memory_space<hbm>>) target(%dma_start3A_18 : memref<409600xf32, #tpu.memory_space<vmem_shared>>) target_semaphore(%arg16 : memref<!tpu.dma_semaphore, #tpu.memory_space<semaphore_mem>>)
      %add3A_20 = arith.constant 0 : i32
      %add3A_21 = arith.addi %mul3A_6, %add3A_20 : i32
      %dma_wait3A = arith.constant 0 : i32
      %dma_wait3A_22 = tpu.memref_slice %arg5[%dma_wait3A] : memref<1228800xf32, #tpu.memory_space<vmem_shared>> -> memref<409600xf32, #tpu.memory_space<vmem_shared>>
      %dma_wait3A_23 = tpu.memref_slice %arg2[%add3A_21] : memref<10240000xf32, #tpu.memory_space<hbm>> -> memref<409600xf32, #tpu.memory_space<hbm>>
      tpu.wait_dma2 semaphore(%arg14 : memref<!tpu.dma_semaphore, #tpu.memory_space<semaphore_mem>>) src(%dma_wait3A_23 : memref<409600xf32, #tpu.memory_space<hbm>>) dst(%dma_wait3A_22 : memref<409600xf32, #tpu.memory_space<vmem_shared>>)
      %add3A_24 = arith.constant 0 : i32
      %add3A_25 = arith.addi %mul3A_6, %add3A_24 : i32
      %dma_start3A_26 = tpu.memref_slice %arg3[%add3A_25] : memref<10240000xf32, #tpu.memory_space<hbm>> -> memref<409600xf32, #tpu.memory_space<hbm>>
      %dma_start3A_27 = arith.constant 0 : i32
      %dma_start3A_28 = tpu.memref_slice %arg5[%dma_start3A_27] : memref<1228800xf32, #tpu.memory_space<vmem_shared>> -> memref<409600xf32, #tpu.memory_space<vmem_shared>>
      tpu.enqueue_dma source(%dma_start3A_28 : memref<409600xf32, #tpu.memory_space<vmem_shared>>) target(%dma_start3A_26 : memref<409600xf32, #tpu.memory_space<hbm>>) target_semaphore(%arg17 : memref<!tpu.dma_semaphore, #tpu.memory_space<semaphore_mem>>)
      %add3A_29 = arith.constant 0 : i32
      %add3A_30 = arith.addi %mul3A_6, %add3A_29 : i32
      %dma_wait3A_31 = tpu.memref_slice %arg3[%add3A_30] : memref<10240000xf32, #tpu.memory_space<hbm>> -> memref<409600xf32, #tpu.memory_space<hbm>>
      %dma_wait3A_32 = arith.constant 0 : i32
      %dma_wait3A_33 = tpu.memref_slice %arg5[%dma_wait3A_32] : memref<1228800xf32, #tpu.memory_space<vmem_shared>> -> memref<409600xf32, #tpu.memory_space<vmem_shared>>
      tpu.wait_dma2 semaphore(%arg17 : memref<!tpu.dma_semaphore, #tpu.memory_space<semaphore_mem>>) src(%dma_wait3A_33 : memref<409600xf32, #tpu.memory_space<vmem_shared>>) dst(%dma_wait3A_31 : memref<409600xf32, #tpu.memory_space<hbm>>)
      %add3A_34 = arith.constant 1228800 : i32
      %add3A_35 = arith.addi %mul3A_6, %add3A_34 : i32
      %dma_start3A_36 = arith.constant 0 : i32
      %dma_start3A_37 = tpu.memref_slice %arg5[%dma_start3A_36] : memref<1228800xf32, #tpu.memory_space<vmem_shared>> -> memref<409600xf32, #tpu.memory_space<vmem_shared>>
      %dma_start3A_38 = tpu.memref_slice %arg2[%add3A_35] : memref<10240000xf32, #tpu.memory_space<hbm>> -> memref<409600xf32, #tpu.memory_space<hbm>>
      tpu.enqueue_dma source(%dma_start3A_38 : memref<409600xf32, #tpu.memory_space<hbm>>) target(%dma_start3A_37 : memref<409600xf32, #tpu.memory_space<vmem_shared>>) target_semaphore(%arg14 : memref<!tpu.dma_semaphore, #tpu.memory_space<semaphore_mem>>)
      %add3A_39 = arith.constant 409600 : i32
      %add3A_40 = arith.addi %mul3A_6, %add3A_39 : i32
      %dma_wait3A_41 = arith.constant 409600 : i32
      %dma_wait3A_42 = tpu.memref_slice %arg5[%dma_wait3A_41] : memref<1228800xf32, #tpu.memory_space<vmem_shared>> -> memref<409600xf32, #tpu.memory_space<vmem_shared>>
      %dma_wait3A_43 = tpu.memref_slice %arg2[%add3A_40] : memref<10240000xf32, #tpu.memory_space<hbm>> -> memref<409600xf32, #tpu.memory_space<hbm>>
      tpu.wait_dma2 semaphore(%arg15 : memref<!tpu.dma_semaphore, #tpu.memory_space<semaphore_mem>>) src(%dma_wait3A_43 : memref<409600xf32, #tpu.memory_space<hbm>>) dst(%dma_wait3A_42 : memref<409600xf32, #tpu.memory_space<vmem_shared>>)
      %add3A_44 = arith.constant 409600 : i32
      %add3A_45 = arith.addi %mul3A_6, %add3A_44 : i32
      %dma_start3A_46 = tpu.memref_slice %arg3[%add3A_45] : memref<10240000xf32, #tpu.memory_space<hbm>> -> memref<409600xf32, #tpu.memory_space<hbm>>
      %dma_start3A_47 = arith.constant 409600 : i32
      %dma_start3A_48 = tpu.memref_slice %arg5[%dma_start3A_47] : memref<1228800xf32, #tpu.memory_space<vmem_shared>> -> memref<409600xf32, #tpu.memory_space<vmem_shared>>
      tpu.enqueue_dma source(%dma_start3A_48 : memref<409600xf32, #tpu.memory_space<vmem_shared>>) target(%dma_start3A_46 : memref<409600xf32, #tpu.memory_space<hbm>>) target_semaphore(%arg18 : memref<!tpu.dma_semaphore, #tpu.memory_space<semaphore_mem>>)
      %add3A_49 = arith.constant 409600 : i32
      %add3A_50 = arith.addi %mul3A_6, %add3A_49 : i32
      %dma_wait3A_51 = tpu.memref_slice %arg3[%add3A_50] : memref<10240000xf32, #tpu.memory_space<hbm>> -> memref<409600xf32, #tpu.memory_space<hbm>>
      %dma_wait3A_52 = arith.constant 409600 : i32
      %dma_wait3A_53 = tpu.memref_slice %arg5[%dma_wait3A_52] : memref<1228800xf32, #tpu.memory_space<vmem_shared>> -> memref<409600xf32, #tpu.memory_space<vmem_shared>>
      tpu.wait_dma2 semaphore(%arg18 : memref<!tpu.dma_semaphore, #tpu.memory_space<semaphore_mem>>) src(%dma_wait3A_53 : memref<409600xf32, #tpu.memory_space<vmem_shared>>) dst(%dma_wait3A_51 : memref<409600xf32, #tpu.memory_space<hbm>>)
      %add3A_54 = arith.constant 1638400 : i32
      %add3A_55 = arith.addi %mul3A_6, %add3A_54 : i32
      %dma_start3A_56 = arith.constant 409600 : i32
      %dma_start3A_57 = tpu.memref_slice %arg5[%dma_start3A_56] : memref<1228800xf32, #tpu.memory_space<vmem_shared>> -> memref<409600xf32, #tpu.memory_space<vmem_shared>>
      %dma_start3A_58 = tpu.memref_slice %arg2[%add3A_55] : memref<10240000xf32, #tpu.memory_space<hbm>> -> memref<409600xf32, #tpu.memory_space<hbm>>
      tpu.enqueue_dma source(%dma_start3A_58 : memref<409600xf32, #tpu.memory_space<hbm>>) target(%dma_start3A_57 : memref<409600xf32, #tpu.memory_space<vmem_shared>>) target_semaphore(%arg15 : memref<!tpu.dma_semaphore, #tpu.memory_space<semaphore_mem>>)
      %add3A_59 = arith.constant 819200 : i32
      %add3A_60 = arith.addi %mul3A_6, %add3A_59 : i32
      %dma_wait3A_61 = arith.constant 819200 : i32
      %dma_wait3A_62 = tpu.memref_slice %arg5[%dma_wait3A_61] : memref<1228800xf32, #tpu.memory_space<vmem_shared>> -> memref<409600xf32, #tpu.memory_space<vmem_shared>>
      %dma_wait3A_63 = tpu.memref_slice %arg2[%add3A_60] : memref<10240000xf32, #tpu.memory_space<hbm>> -> memref<409600xf32, #tpu.memory_space<hbm>>
      tpu.wait_dma2 semaphore(%arg16 : memref<!tpu.dma_semaphore, #tpu.memory_space<semaphore_mem>>) src(%dma_wait3A_63 : memref<409600xf32, #tpu.memory_space<hbm>>) dst(%dma_wait3A_62 : memref<409600xf32, #tpu.memory_space<vmem_shared>>)
      %add3A_64 = arith.constant 819200 : i32
      %add3A_65 = arith.addi %mul3A_6, %add3A_64 : i32
      %dma_start3A_66 = tpu.memref_slice %arg3[%add3A_65] : memref<10240000xf32, #tpu.memory_space<hbm>> -> memref<409600xf32, #tpu.memory_space<hbm>>
      %dma_start3A_67 = arith.constant 819200 : i32
      %dma_start3A_68 = tpu.memref_slice %arg5[%dma_start3A_67] : memref<1228800xf32, #tpu.memory_space<vmem_shared>> -> memref<409600xf32, #tpu.memory_space<vmem_shared>>
      tpu.enqueue_dma source(%dma_start3A_68 : memref<409600xf32, #tpu.memory_space<vmem_shared>>) target(%dma_start3A_66 : memref<409600xf32, #tpu.memory_space<hbm>>) target_semaphore(%arg19 : memref<!tpu.dma_semaphore, #tpu.memory_space<semaphore_mem>>)
      %add3A_69 = arith.constant 1228800 : i32
      %add3A_70 = arith.addi %mul3A_6, %add3A_69 : i32
      %dma_wait3A_71 = arith.constant 0 : i32
      %dma_wait3A_72 = tpu.memref_slice %arg5[%dma_wait3A_71] : memref<1228800xf32, #tpu.memory_space<vmem_shared>> -> memref<409600xf32, #tpu.memory_space<vmem_shared>>
      %dma_wait3A_73 = tpu.memref_slice %arg2[%add3A_70] : memref<10240000xf32, #tpu.memory_space<hbm>> -> memref<409600xf32, #tpu.memory_space<hbm>>
      tpu.wait_dma2 semaphore(%arg14 : memref<!tpu.dma_semaphore, #tpu.memory_space<semaphore_mem>>) src(%dma_wait3A_73 : memref<409600xf32, #tpu.memory_space<hbm>>) dst(%dma_wait3A_72 : memref<409600xf32, #tpu.memory_space<vmem_shared>>)
      %add3A_74 = arith.constant 1228800 : i32
      %add3A_75 = arith.addi %mul3A_6, %add3A_74 : i32
      %dma_start3A_76 = tpu.memref_slice %arg3[%add3A_75] : memref<10240000xf32, #tpu.memory_space<hbm>> -> memref<409600xf32, #tpu.memory_space<hbm>>
      %dma_start3A_77 = arith.constant 0 : i32
      %dma_start3A_78 = tpu.memref_slice %arg5[%dma_start3A_77] : memref<1228800xf32, #tpu.memory_space<vmem_shared>> -> memref<409600xf32, #tpu.memory_space<vmem_shared>>
      tpu.enqueue_dma source(%dma_start3A_78 : memref<409600xf32, #tpu.memory_space<vmem_shared>>) target(%dma_start3A_76 : memref<409600xf32, #tpu.memory_space<hbm>>) target_semaphore(%arg17 : memref<!tpu.dma_semaphore, #tpu.memory_space<semaphore_mem>>)
      %add3A_79 = arith.constant 1638400 : i32
      %add3A_80 = arith.addi %mul3A_6, %add3A_79 : i32
      %dma_wait3A_81 = arith.constant 409600 : i32
      %dma_wait3A_82 = tpu.memref_slice %arg5[%dma_wait3A_81] : memref<1228800xf32, #tpu.memory_space<vmem_shared>> -> memref<409600xf32, #tpu.memory_space<vmem_shared>>
      %dma_wait3A_83 = tpu.memref_slice %arg2[%add3A_80] : memref<10240000xf32, #tpu.memory_space<hbm>> -> memref<409600xf32, #tpu.memory_space<hbm>>
      tpu.wait_dma2 semaphore(%arg15 : memref<!tpu.dma_semaphore, #tpu.memory_space<semaphore_mem>>) src(%dma_wait3A_83 : memref<409600xf32, #tpu.memory_space<hbm>>) dst(%dma_wait3A_82 : memref<409600xf32, #tpu.memory_space<vmem_shared>>)
      %add3A_84 = arith.constant 1638400 : i32
      %add3A_85 = arith.addi %mul3A_6, %add3A_84 : i32
      %dma_start3A_86 = tpu.memref_slice %arg3[%add3A_85] : memref<10240000xf32, #tpu.memory_space<hbm>> -> memref<409600xf32, #tpu.memory_space<hbm>>
      %dma_start3A_87 = arith.constant 409600 : i32
      %dma_start3A_88 = tpu.memref_slice %arg5[%dma_start3A_87] : memref<1228800xf32, #tpu.memory_space<vmem_shared>> -> memref<409600xf32, #tpu.memory_space<vmem_shared>>
      tpu.enqueue_dma source(%dma_start3A_88 : memref<409600xf32, #tpu.memory_space<vmem_shared>>) target(%dma_start3A_86 : memref<409600xf32, #tpu.memory_space<hbm>>) target_semaphore(%arg18 : memref<!tpu.dma_semaphore, #tpu.memory_space<semaphore_mem>>)
      %add3A_89 = arith.constant 819200 : i32
      %add3A_90 = arith.addi %mul3A_6, %add3A_89 : i32
      %dma_wait3A_91 = tpu.memref_slice %arg3[%add3A_90] : memref<10240000xf32, #tpu.memory_space<hbm>> -> memref<409600xf32, #tpu.memory_space<hbm>>
      %dma_wait3A_92 = arith.constant 819200 : i32
      %dma_wait3A_93 = tpu.memref_slice %arg5[%dma_wait3A_92] : memref<1228800xf32, #tpu.memory_space<vmem_shared>> -> memref<409600xf32, #tpu.memory_space<vmem_shared>>
      tpu.wait_dma2 semaphore(%arg19 : memref<!tpu.dma_semaphore, #tpu.memory_space<semaphore_mem>>) src(%dma_wait3A_93 : memref<409600xf32, #tpu.memory_space<vmem_shared>>) dst(%dma_wait3A_91 : memref<409600xf32, #tpu.memory_space<hbm>>)
      %add3A_94 = arith.constant 1228800 : i32
      %add3A_95 = arith.addi %mul3A_6, %add3A_94 : i32
      %dma_wait3A_96 = tpu.memref_slice %arg3[%add3A_95] : memref<10240000xf32, #tpu.memory_space<hbm>> -> memref<409600xf32, #tpu.memory_space<hbm>>
      %dma_wait3A_97 = arith.constant 0 : i32
      %dma_wait3A_98 = tpu.memref_slice %arg5[%dma_wait3A_97] : memref<1228800xf32, #tpu.memory_space<vmem_shared>> -> memref<409600xf32, #tpu.memory_space<vmem_shared>>
      tpu.wait_dma2 semaphore(%arg17 : memref<!tpu.dma_semaphore, #tpu.memory_space<semaphore_mem>>) src(%dma_wait3A_98 : memref<409600xf32, #tpu.memory_space<vmem_shared>>) dst(%dma_wait3A_96 : memref<409600xf32, #tpu.memory_space<hbm>>)
      %add3A_99 = arith.constant 1638400 : i32
      %add3A_100 = arith.addi %mul3A_6, %add3A_99 : i32
      %dma_wait3A_101 = tpu.memref_slice %arg3[%add3A_100] : memref<10240000xf32, #tpu.memory_space<hbm>> -> memref<409600xf32, #tpu.memory_space<hbm>>
      %dma_wait3A_102 = arith.constant 409600 : i32
      %dma_wait3A_103 = tpu.memref_slice %arg5[%dma_wait3A_102] : memref<1228800xf32, #tpu.memory_space<vmem_shared>> -> memref<409600xf32, #tpu.memory_space<vmem_shared>>
      tpu.wait_dma2 semaphore(%arg18 : memref<!tpu.dma_semaphore, #tpu.memory_space<semaphore_mem>>) src(%dma_wait3A_103 : memref<409600xf32, #tpu.memory_space<vmem_shared>>) dst(%dma_wait3A_101 : memref<409600xf32, #tpu.memory_space<hbm>>)
    } else {
    }
    %ne3A = arith.constant 0 : i32
    %ne3A_2 = arith.cmpi ne, %arg1, %ne3A : i32
    %convert_element_type3A_3 = arith.extui %ne3A_2 : i1 to i32
    %cond3A_4 = arith.constant 0 : i32
    %cond3A_5 = arith.cmpi ne, %convert_element_type3A_3, %cond3A_4 : i32
    scf.if %cond3A_5 {
      %sub3A = arith.constant 1 : i32
      %sub3A_6 = arith.subi %arg1, %sub3A : i32
      %mul3A = arith.constant 2 : i32
      %mul3A_7 = arith.muli %sub3A_6, %mul3A : i32
      %add3A = arith.addi %mul3A_7, %arg0 : i32
      %mul3A_8 = arith.constant 204800 : i32
      %mul3A_9 = arith.muli %add3A, %mul3A_8 : i32
      %add3A_10 = arith.constant 4096000 : i32
      %add3A_11 = arith.addi %add3A_10, %mul3A_9 : i32
      %add3A_12 = arith.constant 0 : i32
      %add3A_13 = arith.addi %add3A_11, %add3A_12 : i32
      %dma_start3A = arith.constant 0 : i32
      %dma_start3A_14 = tpu.memref_slice %arg4[%dma_start3A] : memref<51200xf32, #tpu.memory_space<vmem>> -> memref<12800xf32, #tpu.memory_space<vmem>>
      %dma_start3A_15 = tpu.memref_slice %arg2[%add3A_13] : memref<10240000xf32, #tpu.memory_space<hbm>> -> memref<12800xf32, #tpu.memory_space<hbm>>
      %dma_start3A_16 = arith.constant 0 : i32
      %dma_start3A_17 = tpu.memref_slice %arg4[%dma_start3A_16] : memref<51200xf32, #tpu.memory_space<vmem>> -> memref<12800xf32, #tpu.memory_space<vmem>>
      %dma_start3A_18 = tpu.memref_slice %arg2[%add3A_13] : memref<10240000xf32, #tpu.memory_space<hbm>> -> memref<12800xf32, #tpu.memory_space<hbm>>
      tpu.enqueue_dma source(%dma_start3A_18 : memref<12800xf32, #tpu.memory_space<hbm>>) target(%dma_start3A_17 : memref<12800xf32, #tpu.memory_space<vmem>>) target_semaphore(%arg6 : memref<!tpu.dma_semaphore, #tpu.memory_space<semaphore_mem>>)
      %add3A_19 = arith.constant 12800 : i32
      %add3A_20 = arith.addi %add3A_11, %add3A_19 : i32
      %dma_start3A_21 = arith.constant 12800 : i32
      %dma_start3A_22 = tpu.memref_slice %arg4[%dma_start3A_21] : memref<51200xf32, #tpu.memory_space<vmem>> -> memref<12800xf32, #tpu.memory_space<vmem>>
      %dma_start3A_23 = tpu.memref_slice %arg2[%add3A_20] : memref<10240000xf32, #tpu.memory_space<hbm>> -> memref<12800xf32, #tpu.memory_space<hbm>>
      %dma_start3A_24 = arith.constant 12800 : i32
      %dma_start3A_25 = tpu.memref_slice %arg4[%dma_start3A_24] : memref<51200xf32, #tpu.memory_space<vmem>> -> memref<12800xf32, #tpu.memory_space<vmem>>
      %dma_start3A_26 = tpu.memref_slice %arg2[%add3A_20] : memref<10240000xf32, #tpu.memory_space<hbm>> -> memref<12800xf32, #tpu.memory_space<hbm>>
      tpu.enqueue_dma source(%dma_start3A_26 : memref<12800xf32, #tpu.memory_space<hbm>>) target(%dma_start3A_25 : memref<12800xf32, #tpu.memory_space<vmem>>) target_semaphore(%arg7 : memref<!tpu.dma_semaphore, #tpu.memory_space<semaphore_mem>>)
      %add3A_27 = arith.constant 25600 : i32
      %add3A_28 = arith.addi %add3A_11, %add3A_27 : i32
      %dma_start3A_29 = arith.constant 25600 : i32
      %dma_start3A_30 = tpu.memref_slice %arg4[%dma_start3A_29] : memref<51200xf32, #tpu.memory_space<vmem>> -> memref<12800xf32, #tpu.memory_space<vmem>>
      %dma_start3A_31 = tpu.memref_slice %arg2[%add3A_28] : memref<10240000xf32, #tpu.memory_space<hbm>> -> memref<12800xf32, #tpu.memory_space<hbm>>
      %dma_start3A_32 = arith.constant 25600 : i32
      %dma_start3A_33 = tpu.memref_slice %arg4[%dma_start3A_32] : memref<51200xf32, #tpu.memory_space<vmem>> -> memref<12800xf32, #tpu.memory_space<vmem>>
      %dma_start3A_34 = tpu.memref_slice %arg2[%add3A_28] : memref<10240000xf32, #tpu.memory_space<hbm>> -> memref<12800xf32, #tpu.memory_space<hbm>>
      tpu.enqueue_dma source(%dma_start3A_34 : memref<12800xf32, #tpu.memory_space<hbm>>) target(%dma_start3A_33 : memref<12800xf32, #tpu.memory_space<vmem>>) target_semaphore(%arg8 : memref<!tpu.dma_semaphore, #tpu.memory_space<semaphore_mem>>)
      %add3A_35 = arith.constant 38400 : i32
      %add3A_36 = arith.addi %add3A_11, %add3A_35 : i32
      %dma_start3A_37 = arith.constant 38400 : i32
      %dma_start3A_38 = tpu.memref_slice %arg4[%dma_start3A_37] : memref<51200xf32, #tpu.memory_space<vmem>> -> memref<12800xf32, #tpu.memory_space<vmem>>
      %dma_start3A_39 = tpu.memref_slice %arg2[%add3A_36] : memref<10240000xf32, #tpu.memory_space<hbm>> -> memref<12800xf32, #tpu.memory_space<hbm>>
      %dma_start3A_40 = arith.constant 38400 : i32
      %dma_start3A_41 = tpu.memref_slice %arg4[%dma_start3A_40] : memref<51200xf32, #tpu.memory_space<vmem>> -> memref<12800xf32, #tpu.memory_space<vmem>>
      %dma_start3A_42 = tpu.memref_slice %arg2[%add3A_36] : memref<10240000xf32, #tpu.memory_space<hbm>> -> memref<12800xf32, #tpu.memory_space<hbm>>
      tpu.enqueue_dma source(%dma_start3A_42 : memref<12800xf32, #tpu.memory_space<hbm>>) target(%dma_start3A_41 : memref<12800xf32, #tpu.memory_space<vmem>>) target_semaphore(%arg9 : memref<!tpu.dma_semaphore, #tpu.memory_space<semaphore_mem>>)
      %add3A_43 = arith.constant 0 : i32
      %add3A_44 = arith.addi %add3A_11, %add3A_43 : i32
      %dma_wait3A = arith.constant 0 : i32
      %dma_wait3A_45 = tpu.memref_slice %arg4[%dma_wait3A] : memref<51200xf32, #tpu.memory_space<vmem>> -> memref<12800xf32, #tpu.memory_space<vmem>>
      %dma_wait3A_46 = tpu.memref_slice %arg2[%add3A_44] : memref<10240000xf32, #tpu.memory_space<hbm>> -> memref<12800xf32, #tpu.memory_space<hbm>>
      %dma_wait3A_47 = arith.constant 0 : i32
      %dma_wait3A_48 = tpu.memref_slice %arg4[%dma_wait3A_47] : memref<51200xf32, #tpu.memory_space<vmem>> -> memref<12800xf32, #tpu.memory_space<vmem>>
      %dma_wait3A_49 = tpu.memref_slice %arg2[%add3A_44] : memref<10240000xf32, #tpu.memory_space<hbm>> -> memref<12800xf32, #tpu.memory_space<hbm>>
      tpu.wait_dma2 semaphore(%arg6 : memref<!tpu.dma_semaphore, #tpu.memory_space<semaphore_mem>>) src(%dma_wait3A_49 : memref<12800xf32, #tpu.memory_space<hbm>>) dst(%dma_wait3A_48 : memref<12800xf32, #tpu.memory_space<vmem>>)
      %add3A_50 = arith.constant 0 : i32
      %add3A_51 = arith.addi %add3A_11, %add3A_50 : i32
      %dma_start3A_52 = arith.constant 0 : i32
      %dma_start3A_53 = tpu.memref_slice %arg4[%dma_start3A_52] : memref<51200xf32, #tpu.memory_space<vmem>> -> memref<12800xf32, #tpu.memory_space<vmem>>
      %dma_start3A_54 = tpu.memref_slice %arg3[%add3A_51] : memref<10240000xf32, #tpu.memory_space<hbm>> -> memref<12800xf32, #tpu.memory_space<hbm>>
      %dma_start3A_55 = tpu.memref_slice %arg3[%add3A_51] : memref<10240000xf32, #tpu.memory_space<hbm>> -> memref<12800xf32, #tpu.memory_space<hbm>>
      %dma_start3A_56 = arith.constant 0 : i32
      %dma_start3A_57 = tpu.memref_slice %arg4[%dma_start3A_56] : memref<51200xf32, #tpu.memory_space<vmem>> -> memref<12800xf32, #tpu.memory_space<vmem>>
      tpu.enqueue_dma source(%dma_start3A_57 : memref<12800xf32, #tpu.memory_space<vmem>>) target(%dma_start3A_55 : memref<12800xf32, #tpu.memory_space<hbm>>) target_semaphore(%arg10 : memref<!tpu.dma_semaphore, #tpu.memory_space<semaphore_mem>>)
      %add3A_58 = arith.constant 0 : i32
      %add3A_59 = arith.addi %add3A_11, %add3A_58 : i32
      %dma_wait3A_60 = arith.constant 0 : i32
      %dma_wait3A_61 = tpu.memref_slice %arg4[%dma_wait3A_60] : memref<51200xf32, #tpu.memory_space<vmem>> -> memref<12800xf32, #tpu.memory_space<vmem>>
      %dma_wait3A_62 = tpu.memref_slice %arg3[%add3A_59] : memref<10240000xf32, #tpu.memory_space<hbm>> -> memref<12800xf32, #tpu.memory_space<hbm>>
      %dma_wait3A_63 = tpu.memref_slice %arg3[%add3A_59] : memref<10240000xf32, #tpu.memory_space<hbm>> -> memref<12800xf32, #tpu.memory_space<hbm>>
      %dma_wait3A_64 = arith.constant 0 : i32
      %dma_wait3A_65 = tpu.memref_slice %arg4[%dma_wait3A_64] : memref<51200xf32, #tpu.memory_space<vmem>> -> memref<12800xf32, #tpu.memory_space<vmem>>
      tpu.wait_dma2 semaphore(%arg10 : memref<!tpu.dma_semaphore, #tpu.memory_space<semaphore_mem>>) src(%dma_wait3A_65 : memref<12800xf32, #tpu.memory_space<vmem>>) dst(%dma_wait3A_63 : memref<12800xf32, #tpu.memory_space<hbm>>)
      %add3A_66 = arith.constant 51200 : i32
      %add3A_67 = arith.addi %add3A_11, %add3A_66 : i32
      %dma_start3A_68 = arith.constant 0 : i32
      %dma_start3A_69 = tpu.memref_slice %arg4[%dma_start3A_68] : memref<51200xf32, #tpu.memory_space<vmem>> -> memref<12800xf32, #tpu.memory_space<vmem>>
      %dma_start3A_70 = tpu.memref_slice %arg2[%add3A_67] : memref<10240000xf32, #tpu.memory_space<hbm>> -> memref<12800xf32, #tpu.memory_space<hbm>>
      %dma_start3A_71 = arith.constant 0 : i32
      %dma_start3A_72 = tpu.memref_slice %arg4[%dma_start3A_71] : memref<51200xf32, #tpu.memory_space<vmem>> -> memref<12800xf32, #tpu.memory_space<vmem>>
      %dma_start3A_73 = tpu.memref_slice %arg2[%add3A_67] : memref<10240000xf32, #tpu.memory_space<hbm>> -> memref<12800xf32, #tpu.memory_space<hbm>>
      tpu.enqueue_dma source(%dma_start3A_73 : memref<12800xf32, #tpu.memory_space<hbm>>) target(%dma_start3A_72 : memref<12800xf32, #tpu.memory_space<vmem>>) target_semaphore(%arg6 : memref<!tpu.dma_semaphore, #tpu.memory_space<semaphore_mem>>)
      %add3A_74 = arith.constant 12800 : i32
      %add3A_75 = arith.addi %add3A_11, %add3A_74 : i32
      %dma_wait3A_76 = arith.constant 12800 : i32
      %dma_wait3A_77 = tpu.memref_slice %arg4[%dma_wait3A_76] : memref<51200xf32, #tpu.memory_space<vmem>> -> memref<12800xf32, #tpu.memory_space<vmem>>
      %dma_wait3A_78 = tpu.memref_slice %arg2[%add3A_75] : memref<10240000xf32, #tpu.memory_space<hbm>> -> memref<12800xf32, #tpu.memory_space<hbm>>
      %dma_wait3A_79 = arith.constant 12800 : i32
      %dma_wait3A_80 = tpu.memref_slice %arg4[%dma_wait3A_79] : memref<51200xf32, #tpu.memory_space<vmem>> -> memref<12800xf32, #tpu.memory_space<vmem>>
      %dma_wait3A_81 = tpu.memref_slice %arg2[%add3A_75] : memref<10240000xf32, #tpu.memory_space<hbm>> -> memref<12800xf32, #tpu.memory_space<hbm>>
      tpu.wait_dma2 semaphore(%arg7 : memref<!tpu.dma_semaphore, #tpu.memory_space<semaphore_mem>>) src(%dma_wait3A_81 : memref<12800xf32, #tpu.memory_space<hbm>>) dst(%dma_wait3A_80 : memref<12800xf32, #tpu.memory_space<vmem>>)
      %add3A_82 = arith.constant 12800 : i32
      %add3A_83 = arith.addi %add3A_11, %add3A_82 : i32
      %dma_start3A_84 = arith.constant 12800 : i32
      %dma_start3A_85 = tpu.memref_slice %arg4[%dma_start3A_84] : memref<51200xf32, #tpu.memory_space<vmem>> -> memref<12800xf32, #tpu.memory_space<vmem>>
      %dma_start3A_86 = tpu.memref_slice %arg3[%add3A_83] : memref<10240000xf32, #tpu.memory_space<hbm>> -> memref<12800xf32, #tpu.memory_space<hbm>>
      %dma_start3A_87 = tpu.memref_slice %arg3[%add3A_83] : memref<10240000xf32, #tpu.memory_space<hbm>> -> memref<12800xf32, #tpu.memory_space<hbm>>
      %dma_start3A_88 = arith.constant 12800 : i32
      %dma_start3A_89 = tpu.memref_slice %arg4[%dma_start3A_88] : memref<51200xf32, #tpu.memory_space<vmem>> -> memref<12800xf32, #tpu.memory_space<vmem>>
      tpu.enqueue_dma source(%dma_start3A_89 : memref<12800xf32, #tpu.memory_space<vmem>>) target(%dma_start3A_87 : memref<12800xf32, #tpu.memory_space<hbm>>) target_semaphore(%arg11 : memref<!tpu.dma_semaphore, #tpu.memory_space<semaphore_mem>>)
      %add3A_90 = arith.constant 12800 : i32
      %add3A_91 = arith.addi %add3A_11, %add3A_90 : i32
      %dma_wait3A_92 = arith.constant 12800 : i32
      %dma_wait3A_93 = tpu.memref_slice %arg4[%dma_wait3A_92] : memref<51200xf32, #tpu.memory_space<vmem>> -> memref<12800xf32, #tpu.memory_space<vmem>>
      %dma_wait3A_94 = tpu.memref_slice %arg3[%add3A_91] : memref<10240000xf32, #tpu.memory_space<hbm>> -> memref<12800xf32, #tpu.memory_space<hbm>>
      %dma_wait3A_95 = tpu.memref_slice %arg3[%add3A_91] : memref<10240000xf32, #tpu.memory_space<hbm>> -> memref<12800xf32, #tpu.memory_space<hbm>>
      %dma_wait3A_96 = arith.constant 12800 : i32
      %dma_wait3A_97 = tpu.memref_slice %arg4[%dma_wait3A_96] : memref<51200xf32, #tpu.memory_space<vmem>> -> memref<12800xf32, #tpu.memory_space<vmem>>
      tpu.wait_dma2 semaphore(%arg11 : memref<!tpu.dma_semaphore, #tpu.memory_space<semaphore_mem>>) src(%dma_wait3A_97 : memref<12800xf32, #tpu.memory_space<vmem>>) dst(%dma_wait3A_95 : memref<12800xf32, #tpu.memory_space<hbm>>)
      %add3A_98 = arith.constant 64000 : i32
      %add3A_99 = arith.addi %add3A_11, %add3A_98 : i32
      %dma_start3A_100 = arith.constant 12800 : i32
      %dma_start3A_101 = tpu.memref_slice %arg4[%dma_start3A_100] : memref<51200xf32, #tpu.memory_space<vmem>> -> memref<12800xf32, #tpu.memory_space<vmem>>
      %dma_start3A_102 = tpu.memref_slice %arg2[%add3A_99] : memref<10240000xf32, #tpu.memory_space<hbm>> -> memref<12800xf32, #tpu.memory_space<hbm>>
      %dma_start3A_103 = arith.constant 12800 : i32
      %dma_start3A_104 = tpu.memref_slice %arg4[%dma_start3A_103] : memref<51200xf32, #tpu.memory_space<vmem>> -> memref<12800xf32, #tpu.memory_space<vmem>>
      %dma_start3A_105 = tpu.memref_slice %arg2[%add3A_99] : memref<10240000xf32, #tpu.memory_space<hbm>> -> memref<12800xf32, #tpu.memory_space<hbm>>
      tpu.enqueue_dma source(%dma_start3A_105 : memref<12800xf32, #tpu.memory_space<hbm>>) target(%dma_start3A_104 : memref<12800xf32, #tpu.memory_space<vmem>>) target_semaphore(%arg7 : memref<!tpu.dma_semaphore, #tpu.memory_space<semaphore_mem>>)
      %add3A_106 = arith.constant 25600 : i32
      %add3A_107 = arith.addi %add3A_11, %add3A_106 : i32
      %dma_wait3A_108 = arith.constant 25600 : i32
      %dma_wait3A_109 = tpu.memref_slice %arg4[%dma_wait3A_108] : memref<51200xf32, #tpu.memory_space<vmem>> -> memref<12800xf32, #tpu.memory_space<vmem>>
      %dma_wait3A_110 = tpu.memref_slice %arg2[%add3A_107] : memref<10240000xf32, #tpu.memory_space<hbm>> -> memref<12800xf32, #tpu.memory_space<hbm>>
      %dma_wait3A_111 = arith.constant 25600 : i32
      %dma_wait3A_112 = tpu.memref_slice %arg4[%dma_wait3A_111] : memref<51200xf32, #tpu.memory_space<vmem>> -> memref<12800xf32, #tpu.memory_space<vmem>>
      %dma_wait3A_113 = tpu.memref_slice %arg2[%add3A_107] : memref<10240000xf32, #tpu.memory_space<hbm>> -> memref<12800xf32, #tpu.memory_space<hbm>>
      tpu.wait_dma2 semaphore(%arg8 : memref<!tpu.dma_semaphore, #tpu.memory_space<semaphore_mem>>) src(%dma_wait3A_113 : memref<12800xf32, #tpu.memory_space<hbm>>) dst(%dma_wait3A_112 : memref<12800xf32, #tpu.memory_space<vmem>>)
      %add3A_114 = arith.constant 25600 : i32
      %add3A_115 = arith.addi %add3A_11, %add3A_114 : i32
      %dma_start3A_116 = arith.constant 25600 : i32
      %dma_start3A_117 = tpu.memref_slice %arg4[%dma_start3A_116] : memref<51200xf32, #tpu.memory_space<vmem>> -> memref<12800xf32, #tpu.memory_space<vmem>>
      %dma_start3A_118 = tpu.memref_slice %arg3[%add3A_115] : memref<10240000xf32, #tpu.memory_space<hbm>> -> memref<12800xf32, #tpu.memory_space<hbm>>
      %dma_start3A_119 = tpu.memref_slice %arg3[%add3A_115] : memref<10240000xf32, #tpu.memory_space<hbm>> -> memref<12800xf32, #tpu.memory_space<hbm>>
      %dma_start3A_120 = arith.constant 25600 : i32
      %dma_start3A_121 = tpu.memref_slice %arg4[%dma_start3A_120] : memref<51200xf32, #tpu.memory_space<vmem>> -> memref<12800xf32, #tpu.memory_space<vmem>>
      tpu.enqueue_dma source(%dma_start3A_121 : memref<12800xf32, #tpu.memory_space<vmem>>) target(%dma_start3A_119 : memref<12800xf32, #tpu.memory_space<hbm>>) target_semaphore(%arg12 : memref<!tpu.dma_semaphore, #tpu.memory_space<semaphore_mem>>)
      %add3A_122 = arith.constant 25600 : i32
      %add3A_123 = arith.addi %add3A_11, %add3A_122 : i32
      %dma_wait3A_124 = arith.constant 25600 : i32
      %dma_wait3A_125 = tpu.memref_slice %arg4[%dma_wait3A_124] : memref<51200xf32, #tpu.memory_space<vmem>> -> memref<12800xf32, #tpu.memory_space<vmem>>
      %dma_wait3A_126 = tpu.memref_slice %arg3[%add3A_123] : memref<10240000xf32, #tpu.memory_space<hbm>> -> memref<12800xf32, #tpu.memory_space<hbm>>
      %dma_wait3A_127 = tpu.memref_slice %arg3[%add3A_123] : memref<10240000xf32, #tpu.memory_space<hbm>> -> memref<12800xf32, #tpu.memory_space<hbm>>
      %dma_wait3A_128 = arith.constant 25600 : i32
      %dma_wait3A_129 = tpu.memref_slice %arg4[%dma_wait3A_128] : memref<51200xf32, #tpu.memory_space<vmem>> -> memref<12800xf32, #tpu.memory_space<vmem>>
      tpu.wait_dma2 semaphore(%arg12 : memref<!tpu.dma_semaphore, #tpu.memory_space<semaphore_mem>>) src(%dma_wait3A_129 : memref<12800xf32, #tpu.memory_space<vmem>>) dst(%dma_wait3A_127 : memref<12800xf32, #tpu.memory_space<hbm>>)
      %add3A_130 = arith.constant 76800 : i32
      %add3A_131 = arith.addi %add3A_11, %add3A_130 : i32
      %dma_start3A_132 = arith.constant 25600 : i32
      %dma_start3A_133 = tpu.memref_slice %arg4[%dma_start3A_132] : memref<51200xf32, #tpu.memory_space<vmem>> -> memref<12800xf32, #tpu.memory_space<vmem>>
      %dma_start3A_134 = tpu.memref_slice %arg2[%add3A_131] : memref<10240000xf32, #tpu.memory_space<hbm>> -> memref<12800xf32, #tpu.memory_space<hbm>>
      %dma_start3A_135 = arith.constant 25600 : i32
      %dma_start3A_136 = tpu.memref_slice %arg4[%dma_start3A_135] : memref<51200xf32, #tpu.memory_space<vmem>> -> memref<12800xf32, #tpu.memory_space<vmem>>
      %dma_start3A_137 = tpu.memref_slice %arg2[%add3A_131] : memref<10240000xf32, #tpu.memory_space<hbm>> -> memref<12800xf32, #tpu.memory_space<hbm>>
      tpu.enqueue_dma source(%dma_start3A_137 : memref<12800xf32, #tpu.memory_space<hbm>>) target(%dma_start3A_136 : memref<12800xf32, #tpu.memory_space<vmem>>) target_semaphore(%arg8 : memref<!tpu.dma_semaphore, #tpu.memory_space<semaphore_mem>>)
      %add3A_138 = arith.constant 38400 : i32
      %add3A_139 = arith.addi %add3A_11, %add3A_138 : i32
      %dma_wait3A_140 = arith.constant 38400 : i32
      %dma_wait3A_141 = tpu.memref_slice %arg4[%dma_wait3A_140] : memref<51200xf32, #tpu.memory_space<vmem>> -> memref<12800xf32, #tpu.memory_space<vmem>>
      %dma_wait3A_142 = tpu.memref_slice %arg2[%add3A_139] : memref<10240000xf32, #tpu.memory_space<hbm>> -> memref<12800xf32, #tpu.memory_space<hbm>>
      %dma_wait3A_143 = arith.constant 38400 : i32
      %dma_wait3A_144 = tpu.memref_slice %arg4[%dma_wait3A_143] : memref<51200xf32, #tpu.memory_space<vmem>> -> memref<12800xf32, #tpu.memory_space<vmem>>
      %dma_wait3A_145 = tpu.memref_slice %arg2[%add3A_139] : memref<10240000xf32, #tpu.memory_space<hbm>> -> memref<12800xf32, #tpu.memory_space<hbm>>
      tpu.wait_dma2 semaphore(%arg9 : memref<!tpu.dma_semaphore, #tpu.memory_space<semaphore_mem>>) src(%dma_wait3A_145 : memref<12800xf32, #tpu.memory_space<hbm>>) dst(%dma_wait3A_144 : memref<12800xf32, #tpu.memory_space<vmem>>)
      %add3A_146 = arith.constant 38400 : i32
      %add3A_147 = arith.addi %add3A_11, %add3A_146 : i32
      %dma_start3A_148 = arith.constant 38400 : i32
      %dma_start3A_149 = tpu.memref_slice %arg4[%dma_start3A_148] : memref<51200xf32, #tpu.memory_space<vmem>> -> memref<12800xf32, #tpu.memory_space<vmem>>
      %dma_start3A_150 = tpu.memref_slice %arg3[%add3A_147] : memref<10240000xf32, #tpu.memory_space<hbm>> -> memref<12800xf32, #tpu.memory_space<hbm>>
      %dma_start3A_151 = tpu.memref_slice %arg3[%add3A_147] : memref<10240000xf32, #tpu.memory_space<hbm>> -> memref<12800xf32, #tpu.memory_space<hbm>>
      %dma_start3A_152 = arith.constant 38400 : i32
      %dma_start3A_153 = tpu.memref_slice %arg4[%dma_start3A_152] : memref<51200xf32, #tpu.memory_space<vmem>> -> memref<12800xf32, #tpu.memory_space<vmem>>
      tpu.enqueue_dma source(%dma_start3A_153 : memref<12800xf32, #tpu.memory_space<vmem>>) target(%dma_start3A_151 : memref<12800xf32, #tpu.memory_space<hbm>>) target_semaphore(%arg13 : memref<!tpu.dma_semaphore, #tpu.memory_space<semaphore_mem>>)
      %add3A_154 = arith.constant 38400 : i32
      %add3A_155 = arith.addi %add3A_11, %add3A_154 : i32
      %dma_wait3A_156 = arith.constant 38400 : i32
      %dma_wait3A_157 = tpu.memref_slice %arg4[%dma_wait3A_156] : memref<51200xf32, #tpu.memory_space<vmem>> -> memref<12800xf32, #tpu.memory_space<vmem>>
      %dma_wait3A_158 = tpu.memref_slice %arg3[%add3A_155] : memref<10240000xf32, #tpu.memory_space<hbm>> -> memref<12800xf32, #tpu.memory_space<hbm>>
      %dma_wait3A_159 = tpu.memref_slice %arg3[%add3A_155] : memref<10240000xf32, #tpu.memory_space<hbm>> -> memref<12800xf32, #tpu.memory_space<hbm>>
      %dma_wait3A_160 = arith.constant 38400 : i32
      %dma_wait3A_161 = tpu.memref_slice %arg4[%dma_wait3A_160] : memref<51200xf32, #tpu.memory_space<vmem>> -> memref<12800xf32, #tpu.memory_space<vmem>>
      tpu.wait_dma2 semaphore(%arg13 : memref<!tpu.dma_semaphore, #tpu.memory_space<semaphore_mem>>) src(%dma_wait3A_161 : memref<12800xf32, #tpu.memory_space<vmem>>) dst(%dma_wait3A_159 : memref<12800xf32, #tpu.memory_space<hbm>>)
      %add3A_162 = arith.constant 89600 : i32
      %add3A_163 = arith.addi %add3A_11, %add3A_162 : i32
      %dma_start3A_164 = arith.constant 38400 : i32
      %dma_start3A_165 = tpu.memref_slice %arg4[%dma_start3A_164] : memref<51200xf32, #tpu.memory_space<vmem>> -> memref<12800xf32, #tpu.memory_space<vmem>>
      %dma_start3A_166 = tpu.memref_slice %arg2[%add3A_163] : memref<10240000xf32, #tpu.memory_space<hbm>> -> memref<12800xf32, #tpu.memory_space<hbm>>
      %dma_start3A_167 = arith.constant 38400 : i32
      %dma_start3A_168 = tpu.memref_slice %arg4[%dma_start3A_167] : memref<51200xf32, #tpu.memory_space<vmem>> -> memref<12800xf32, #tpu.memory_space<vmem>>
      %dma_start3A_169 = tpu.memref_slice %arg2[%add3A_163] : memref<10240000xf32, #tpu.memory_space<hbm>> -> memref<12800xf32, #tpu.memory_space<hbm>>
      tpu.enqueue_dma source(%dma_start3A_169 : memref<12800xf32, #tpu.memory_space<hbm>>) target(%dma_start3A_168 : memref<12800xf32, #tpu.memory_space<vmem>>) target_semaphore(%arg9 : memref<!tpu.dma_semaphore, #tpu.memory_space<semaphore_mem>>)
      %add3A_170 = arith.constant 51200 : i32
      %add3A_171 = arith.addi %add3A_11, %add3A_170 : i32
      %dma_wait3A_172 = arith.constant 0 : i32
      %dma_wait3A_173 = tpu.memref_slice %arg4[%dma_wait3A_172] : memref<51200xf32, #tpu.memory_space<vmem>> -> memref<12800xf32, #tpu.memory_space<vmem>>
      %dma_wait3A_174 = tpu.memref_slice %arg2[%add3A_171] : memref<10240000xf32, #tpu.memory_space<hbm>> -> memref<12800xf32, #tpu.memory_space<hbm>>
      %dma_wait3A_175 = arith.constant 0 : i32
      %dma_wait3A_176 = tpu.memref_slice %arg4[%dma_wait3A_175] : memref<51200xf32, #tpu.memory_space<vmem>> -> memref<12800xf32, #tpu.memory_space<vmem>>
      %dma_wait3A_177 = tpu.memref_slice %arg2[%add3A_171] : memref<10240000xf32, #tpu.memory_space<hbm>> -> memref<12800xf32, #tpu.memory_space<hbm>>
      tpu.wait_dma2 semaphore(%arg6 : memref<!tpu.dma_semaphore, #tpu.memory_space<semaphore_mem>>) src(%dma_wait3A_177 : memref<12800xf32, #tpu.memory_space<hbm>>) dst(%dma_wait3A_176 : memref<12800xf32, #tpu.memory_space<vmem>>)
      %add3A_178 = arith.constant 51200 : i32
      %add3A_179 = arith.addi %add3A_11, %add3A_178 : i32
      %dma_start3A_180 = arith.constant 0 : i32
      %dma_start3A_181 = tpu.memref_slice %arg4[%dma_start3A_180] : memref<51200xf32, #tpu.memory_space<vmem>> -> memref<12800xf32, #tpu.memory_space<vmem>>
      %dma_start3A_182 = tpu.memref_slice %arg3[%add3A_179] : memref<10240000xf32, #tpu.memory_space<hbm>> -> memref<12800xf32, #tpu.memory_space<hbm>>
      %dma_start3A_183 = tpu.memref_slice %arg3[%add3A_179] : memref<10240000xf32, #tpu.memory_space<hbm>> -> memref<12800xf32, #tpu.memory_space<hbm>>
      %dma_start3A_184 = arith.constant 0 : i32
      %dma_start3A_185 = tpu.memref_slice %arg4[%dma_start3A_184] : memref<51200xf32, #tpu.memory_space<vmem>> -> memref<12800xf32, #tpu.memory_space<vmem>>
      tpu.enqueue_dma source(%dma_start3A_185 : memref<12800xf32, #tpu.memory_space<vmem>>) target(%dma_start3A_183 : memref<12800xf32, #tpu.memory_space<hbm>>) target_semaphore(%arg10 : memref<!tpu.dma_semaphore, #tpu.memory_space<semaphore_mem>>)
      %add3A_186 = arith.constant 51200 : i32
      %add3A_187 = arith.addi %add3A_11, %add3A_186 : i32
      %dma_wait3A_188 = arith.constant 0 : i32
      %dma_wait3A_189 = tpu.memref_slice %arg4[%dma_wait3A_188] : memref<51200xf32, #tpu.memory_space<vmem>> -> memref<12800xf32, #tpu.memory_space<vmem>>
      %dma_wait3A_190 = tpu.memref_slice %arg3[%add3A_187] : memref<10240000xf32, #tpu.memory_space<hbm>> -> memref<12800xf32, #tpu.memory_space<hbm>>
      %dma_wait3A_191 = tpu.memref_slice %arg3[%add3A_187] : memref<10240000xf32, #tpu.memory_space<hbm>> -> memref<12800xf32, #tpu.memory_space<hbm>>
      %dma_wait3A_192 = arith.constant 0 : i32
      %dma_wait3A_193 = tpu.memref_slice %arg4[%dma_wait3A_192] : memref<51200xf32, #tpu.memory_space<vmem>> -> memref<12800xf32, #tpu.memory_space<vmem>>
      tpu.wait_dma2 semaphore(%arg10 : memref<!tpu.dma_semaphore, #tpu.memory_space<semaphore_mem>>) src(%dma_wait3A_193 : memref<12800xf32, #tpu.memory_space<vmem>>) dst(%dma_wait3A_191 : memref<12800xf32, #tpu.memory_space<hbm>>)
      %add3A_194 = arith.constant 102400 : i32
      %add3A_195 = arith.addi %add3A_11, %add3A_194 : i32
      %dma_start3A_196 = arith.constant 0 : i32
      %dma_start3A_197 = tpu.memref_slice %arg4[%dma_start3A_196] : memref<51200xf32, #tpu.memory_space<vmem>> -> memref<12800xf32, #tpu.memory_space<vmem>>
      %dma_start3A_198 = tpu.memref_slice %arg2[%add3A_195] : memref<10240000xf32, #tpu.memory_space<hbm>> -> memref<12800xf32, #tpu.memory_space<hbm>>
      %dma_start3A_199 = arith.constant 0 : i32
      %dma_start3A_200 = tpu.memref_slice %arg4[%dma_start3A_199] : memref<51200xf32, #tpu.memory_space<vmem>> -> memref<12800xf32, #tpu.memory_space<vmem>>
      %dma_start3A_201 = tpu.memref_slice %arg2[%add3A_195] : memref<10240000xf32, #tpu.memory_space<hbm>> -> memref<12800xf32, #tpu.memory_space<hbm>>
      tpu.enqueue_dma source(%dma_start3A_201 : memref<12800xf32, #tpu.memory_space<hbm>>) target(%dma_start3A_200 : memref<12800xf32, #tpu.memory_space<vmem>>) target_semaphore(%arg6 : memref<!tpu.dma_semaphore, #tpu.memory_space<semaphore_mem>>)
      %add3A_202 = arith.constant 64000 : i32
      %add3A_203 = arith.addi %add3A_11, %add3A_202 : i32
      %dma_wait3A_204 = arith.constant 12800 : i32
      %dma_wait3A_205 = tpu.memref_slice %arg4[%dma_wait3A_204] : memref<51200xf32, #tpu.memory_space<vmem>> -> memref<12800xf32, #tpu.memory_space<vmem>>
      %dma_wait3A_206 = tpu.memref_slice %arg2[%add3A_203] : memref<10240000xf32, #tpu.memory_space<hbm>> -> memref<12800xf32, #tpu.memory_space<hbm>>
      %dma_wait3A_207 = arith.constant 12800 : i32
      %dma_wait3A_208 = tpu.memref_slice %arg4[%dma_wait3A_207] : memref<51200xf32, #tpu.memory_space<vmem>> -> memref<12800xf32, #tpu.memory_space<vmem>>
      %dma_wait3A_209 = tpu.memref_slice %arg2[%add3A_203] : memref<10240000xf32, #tpu.memory_space<hbm>> -> memref<12800xf32, #tpu.memory_space<hbm>>
      tpu.wait_dma2 semaphore(%arg7 : memref<!tpu.dma_semaphore, #tpu.memory_space<semaphore_mem>>) src(%dma_wait3A_209 : memref<12800xf32, #tpu.memory_space<hbm>>) dst(%dma_wait3A_208 : memref<12800xf32, #tpu.memory_space<vmem>>)
      %add3A_210 = arith.constant 64000 : i32
      %add3A_211 = arith.addi %add3A_11, %add3A_210 : i32
      %dma_start3A_212 = arith.constant 12800 : i32
      %dma_start3A_213 = tpu.memref_slice %arg4[%dma_start3A_212] : memref<51200xf32, #tpu.memory_space<vmem>> -> memref<12800xf32, #tpu.memory_space<vmem>>
      %dma_start3A_214 = tpu.memref_slice %arg3[%add3A_211] : memref<10240000xf32, #tpu.memory_space<hbm>> -> memref<12800xf32, #tpu.memory_space<hbm>>
      %dma_start3A_215 = tpu.memref_slice %arg3[%add3A_211] : memref<10240000xf32, #tpu.memory_space<hbm>> -> memref<12800xf32, #tpu.memory_space<hbm>>
      %dma_start3A_216 = arith.constant 12800 : i32
      %dma_start3A_217 = tpu.memref_slice %arg4[%dma_start3A_216] : memref<51200xf32, #tpu.memory_space<vmem>> -> memref<12800xf32, #tpu.memory_space<vmem>>
      tpu.enqueue_dma source(%dma_start3A_217 : memref<12800xf32, #tpu.memory_space<vmem>>) target(%dma_start3A_215 : memref<12800xf32, #tpu.memory_space<hbm>>) target_semaphore(%arg11 : memref<!tpu.dma_semaphore, #tpu.memory_space<semaphore_mem>>)
      %add3A_218 = arith.constant 64000 : i32
      %add3A_219 = arith.addi %add3A_11, %add3A_218 : i32
      %dma_wait3A_220 = arith.constant 12800 : i32
      %dma_wait3A_221 = tpu.memref_slice %arg4[%dma_wait3A_220] : memref<51200xf32, #tpu.memory_space<vmem>> -> memref<12800xf32, #tpu.memory_space<vmem>>
      %dma_wait3A_222 = tpu.memref_slice %arg3[%add3A_219] : memref<10240000xf32, #tpu.memory_space<hbm>> -> memref<12800xf32, #tpu.memory_space<hbm>>
      %dma_wait3A_223 = tpu.memref_slice %arg3[%add3A_219] : memref<10240000xf32, #tpu.memory_space<hbm>> -> memref<12800xf32, #tpu.memory_space<hbm>>
      %dma_wait3A_224 = arith.constant 12800 : i32
      %dma_wait3A_225 = tpu.memref_slice %arg4[%dma_wait3A_224] : memref<51200xf32, #tpu.memory_space<vmem>> -> memref<12800xf32, #tpu.memory_space<vmem>>
      tpu.wait_dma2 semaphore(%arg11 : memref<!tpu.dma_semaphore, #tpu.memory_space<semaphore_mem>>) src(%dma_wait3A_225 : memref<12800xf32, #tpu.memory_space<vmem>>) dst(%dma_wait3A_223 : memref<12800xf32, #tpu.memory_space<hbm>>)
      %add3A_226 = arith.constant 115200 : i32
      %add3A_227 = arith.addi %add3A_11, %add3A_226 : i32
      %dma_start3A_228 = arith.constant 12800 : i32
      %dma_start3A_229 = tpu.memref_slice %arg4[%dma_start3A_228] : memref<51200xf32, #tpu.memory_space<vmem>> -> memref<12800xf32, #tpu.memory_space<vmem>>
      %dma_start3A_230 = tpu.memref_slice %arg2[%add3A_227] : memref<10240000xf32, #tpu.memory_space<hbm>> -> memref<12800xf32, #tpu.memory_space<hbm>>
      %dma_start3A_231 = arith.constant 12800 : i32
      %dma_start3A_232 = tpu.memref_slice %arg4[%dma_start3A_231] : memref<51200xf32, #tpu.memory_space<vmem>> -> memref<12800xf32, #tpu.memory_space<vmem>>
      %dma_start3A_233 = tpu.memref_slice %arg2[%add3A_227] : memref<10240000xf32, #tpu.memory_space<hbm>> -> memref<12800xf32, #tpu.memory_space<hbm>>
      tpu.enqueue_dma source(%dma_start3A_233 : memref<12800xf32, #tpu.memory_space<hbm>>) target(%dma_start3A_232 : memref<12800xf32, #tpu.memory_space<vmem>>) target_semaphore(%arg7 : memref<!tpu.dma_semaphore, #tpu.memory_space<semaphore_mem>>)
      %add3A_234 = arith.constant 76800 : i32
      %add3A_235 = arith.addi %add3A_11, %add3A_234 : i32
      %dma_wait3A_236 = arith.constant 25600 : i32
      %dma_wait3A_237 = tpu.memref_slice %arg4[%dma_wait3A_236] : memref<51200xf32, #tpu.memory_space<vmem>> -> memref<12800xf32, #tpu.memory_space<vmem>>
      %dma_wait3A_238 = tpu.memref_slice %arg2[%add3A_235] : memref<10240000xf32, #tpu.memory_space<hbm>> -> memref<12800xf32, #tpu.memory_space<hbm>>
      %dma_wait3A_239 = arith.constant 25600 : i32
      %dma_wait3A_240 = tpu.memref_slice %arg4[%dma_wait3A_239] : memref<51200xf32, #tpu.memory_space<vmem>> -> memref<12800xf32, #tpu.memory_space<vmem>>
      %dma_wait3A_241 = tpu.memref_slice %arg2[%add3A_235] : memref<10240000xf32, #tpu.memory_space<hbm>> -> memref<12800xf32, #tpu.memory_space<hbm>>
      tpu.wait_dma2 semaphore(%arg8 : memref<!tpu.dma_semaphore, #tpu.memory_space<semaphore_mem>>) src(%dma_wait3A_241 : memref<12800xf32, #tpu.memory_space<hbm>>) dst(%dma_wait3A_240 : memref<12800xf32, #tpu.memory_space<vmem>>)
      %add3A_242 = arith.constant 76800 : i32
      %add3A_243 = arith.addi %add3A_11, %add3A_242 : i32
      %dma_start3A_244 = arith.constant 25600 : i32
      %dma_start3A_245 = tpu.memref_slice %arg4[%dma_start3A_244] : memref<51200xf32, #tpu.memory_space<vmem>> -> memref<12800xf32, #tpu.memory_space<vmem>>
      %dma_start3A_246 = tpu.memref_slice %arg3[%add3A_243] : memref<10240000xf32, #tpu.memory_space<hbm>> -> memref<12800xf32, #tpu.memory_space<hbm>>
      %dma_start3A_247 = tpu.memref_slice %arg3[%add3A_243] : memref<10240000xf32, #tpu.memory_space<hbm>> -> memref<12800xf32, #tpu.memory_space<hbm>>
      %dma_start3A_248 = arith.constant 25600 : i32
      %dma_start3A_249 = tpu.memref_slice %arg4[%dma_start3A_248] : memref<51200xf32, #tpu.memory_space<vmem>> -> memref<12800xf32, #tpu.memory_space<vmem>>
      tpu.enqueue_dma source(%dma_start3A_249 : memref<12800xf32, #tpu.memory_space<vmem>>) target(%dma_start3A_247 : memref<12800xf32, #tpu.memory_space<hbm>>) target_semaphore(%arg12 : memref<!tpu.dma_semaphore, #tpu.memory_space<semaphore_mem>>)
      %add3A_250 = arith.constant 76800 : i32
      %add3A_251 = arith.addi %add3A_11, %add3A_250 : i32
      %dma_wait3A_252 = arith.constant 25600 : i32
      %dma_wait3A_253 = tpu.memref_slice %arg4[%dma_wait3A_252] : memref<51200xf32, #tpu.memory_space<vmem>> -> memref<12800xf32, #tpu.memory_space<vmem>>
      %dma_wait3A_254 = tpu.memref_slice %arg3[%add3A_251] : memref<10240000xf32, #tpu.memory_space<hbm>> -> memref<12800xf32, #tpu.memory_space<hbm>>
      %dma_wait3A_255 = tpu.memref_slice %arg3[%add3A_251] : memref<10240000xf32, #tpu.memory_space<hbm>> -> memref<12800xf32, #tpu.memory_space<hbm>>
      %dma_wait3A_256 = arith.constant 25600 : i32
      %dma_wait3A_257 = tpu.memref_slice %arg4[%dma_wait3A_256] : memref<51200xf32, #tpu.memory_space<vmem>> -> memref<12800xf32, #tpu.memory_space<vmem>>
      tpu.wait_dma2 semaphore(%arg12 : memref<!tpu.dma_semaphore, #tpu.memory_space<semaphore_mem>>) src(%dma_wait3A_257 : memref<12800xf32, #tpu.memory_space<vmem>>) dst(%dma_wait3A_255 : memref<12800xf32, #tpu.memory_space<hbm>>)
      %add3A_258 = arith.constant 128000 : i32
      %add3A_259 = arith.addi %add3A_11, %add3A_258 : i32
      %dma_start3A_260 = arith.constant 25600 : i32
      %dma_start3A_261 = tpu.memref_slice %arg4[%dma_start3A_260] : memref<51200xf32, #tpu.memory_space<vmem>> -> memref<12800xf32, #tpu.memory_space<vmem>>
      %dma_start3A_262 = tpu.memref_slice %arg2[%add3A_259] : memref<10240000xf32, #tpu.memory_space<hbm>> -> memref<12800xf32, #tpu.memory_space<hbm>>
      %dma_start3A_263 = arith.constant 25600 : i32
      %dma_start3A_264 = tpu.memref_slice %arg4[%dma_start3A_263] : memref<51200xf32, #tpu.memory_space<vmem>> -> memref<12800xf32, #tpu.memory_space<vmem>>
      %dma_start3A_265 = tpu.memref_slice %arg2[%add3A_259] : memref<10240000xf32, #tpu.memory_space<hbm>> -> memref<12800xf32, #tpu.memory_space<hbm>>
      tpu.enqueue_dma source(%dma_start3A_265 : memref<12800xf32, #tpu.memory_space<hbm>>) target(%dma_start3A_264 : memref<12800xf32, #tpu.memory_space<vmem>>) target_semaphore(%arg8 : memref<!tpu.dma_semaphore, #tpu.memory_space<semaphore_mem>>)
      %add3A_266 = arith.constant 89600 : i32
      %add3A_267 = arith.addi %add3A_11, %add3A_266 : i32
      %dma_wait3A_268 = arith.constant 38400 : i32
      %dma_wait3A_269 = tpu.memref_slice %arg4[%dma_wait3A_268] : memref<51200xf32, #tpu.memory_space<vmem>> -> memref<12800xf32, #tpu.memory_space<vmem>>
      %dma_wait3A_270 = tpu.memref_slice %arg2[%add3A_267] : memref<10240000xf32, #tpu.memory_space<hbm>> -> memref<12800xf32, #tpu.memory_space<hbm>>
      %dma_wait3A_271 = arith.constant 38400 : i32
      %dma_wait3A_272 = tpu.memref_slice %arg4[%dma_wait3A_271] : memref<51200xf32, #tpu.memory_space<vmem>> -> memref<12800xf32, #tpu.memory_space<vmem>>
      %dma_wait3A_273 = tpu.memref_slice %arg2[%add3A_267] : memref<10240000xf32, #tpu.memory_space<hbm>> -> memref<12800xf32, #tpu.memory_space<hbm>>
      tpu.wait_dma2 semaphore(%arg9 : memref<!tpu.dma_semaphore, #tpu.memory_space<semaphore_mem>>) src(%dma_wait3A_273 : memref<12800xf32, #tpu.memory_space<hbm>>) dst(%dma_wait3A_272 : memref<12800xf32, #tpu.memory_space<vmem>>)
      %add3A_274 = arith.constant 89600 : i32
      %add3A_275 = arith.addi %add3A_11, %add3A_274 : i32
      %dma_start3A_276 = arith.constant 38400 : i32
      %dma_start3A_277 = tpu.memref_slice %arg4[%dma_start3A_276] : memref<51200xf32, #tpu.memory_space<vmem>> -> memref<12800xf32, #tpu.memory_space<vmem>>
      %dma_start3A_278 = tpu.memref_slice %arg3[%add3A_275] : memref<10240000xf32, #tpu.memory_space<hbm>> -> memref<12800xf32, #tpu.memory_space<hbm>>
      %dma_start3A_279 = tpu.memref_slice %arg3[%add3A_275] : memref<10240000xf32, #tpu.memory_space<hbm>> -> memref<12800xf32, #tpu.memory_space<hbm>>
      %dma_start3A_280 = arith.constant 38400 : i32
      %dma_start3A_281 = tpu.memref_slice %arg4[%dma_start3A_280] : memref<51200xf32, #tpu.memory_space<vmem>> -> memref<12800xf32, #tpu.memory_space<vmem>>
      tpu.enqueue_dma source(%dma_start3A_281 : memref<12800xf32, #tpu.memory_space<vmem>>) target(%dma_start3A_279 : memref<12800xf32, #tpu.memory_space<hbm>>) target_semaphore(%arg13 : memref<!tpu.dma_semaphore, #tpu.memory_space<semaphore_mem>>)
      %add3A_282 = arith.constant 89600 : i32
      %add3A_283 = arith.addi %add3A_11, %add3A_282 : i32
      %dma_wait3A_284 = arith.constant 38400 : i32
      %dma_wait3A_285 = tpu.memref_slice %arg4[%dma_wait3A_284] : memref<51200xf32, #tpu.memory_space<vmem>> -> memref<12800xf32, #tpu.memory_space<vmem>>
      %dma_wait3A_286 = tpu.memref_slice %arg3[%add3A_283] : memref<10240000xf32, #tpu.memory_space<hbm>> -> memref<12800xf32, #tpu.memory_space<hbm>>
      %dma_wait3A_287 = tpu.memref_slice %arg3[%add3A_283] : memref<10240000xf32, #tpu.memory_space<hbm>> -> memref<12800xf32, #tpu.memory_space<hbm>>
      %dma_wait3A_288 = arith.constant 38400 : i32
      %dma_wait3A_289 = tpu.memref_slice %arg4[%dma_wait3A_288] : memref<51200xf32, #tpu.memory_space<vmem>> -> memref<12800xf32, #tpu.memory_space<vmem>>
      tpu.wait_dma2 semaphore(%arg13 : memref<!tpu.dma_semaphore, #tpu.memory_space<semaphore_mem>>) src(%dma_wait3A_289 : memref<12800xf32, #tpu.memory_space<vmem>>) dst(%dma_wait3A_287 : memref<12800xf32, #tpu.memory_space<hbm>>)
      %add3A_290 = arith.constant 140800 : i32
      %add3A_291 = arith.addi %add3A_11, %add3A_290 : i32
      %dma_start3A_292 = arith.constant 38400 : i32
      %dma_start3A_293 = tpu.memref_slice %arg4[%dma_start3A_292] : memref<51200xf32, #tpu.memory_space<vmem>> -> memref<12800xf32, #tpu.memory_space<vmem>>
      %dma_start3A_294 = tpu.memref_slice %arg2[%add3A_291] : memref<10240000xf32, #tpu.memory_space<hbm>> -> memref<12800xf32, #tpu.memory_space<hbm>>
      %dma_start3A_295 = arith.constant 38400 : i32
      %dma_start3A_296 = tpu.memref_slice %arg4[%dma_start3A_295] : memref<51200xf32, #tpu.memory_space<vmem>> -> memref<12800xf32, #tpu.memory_space<vmem>>
      %dma_start3A_297 = tpu.memref_slice %arg2[%add3A_291] : memref<10240000xf32, #tpu.memory_space<hbm>> -> memref<12800xf32, #tpu.memory_space<hbm>>
      tpu.enqueue_dma source(%dma_start3A_297 : memref<12800xf32, #tpu.memory_space<hbm>>) target(%dma_start3A_296 : memref<12800xf32, #tpu.memory_space<vmem>>) target_semaphore(%arg9 : memref<!tpu.dma_semaphore, #tpu.memory_space<semaphore_mem>>)
      %add3A_298 = arith.constant 102400 : i32
      %add3A_299 = arith.addi %add3A_11, %add3A_298 : i32
      %dma_wait3A_300 = arith.constant 0 : i32
      %dma_wait3A_301 = tpu.memref_slice %arg4[%dma_wait3A_300] : memref<51200xf32, #tpu.memory_space<vmem>> -> memref<12800xf32, #tpu.memory_space<vmem>>
      %dma_wait3A_302 = tpu.memref_slice %arg2[%add3A_299] : memref<10240000xf32, #tpu.memory_space<hbm>> -> memref<12800xf32, #tpu.memory_space<hbm>>
      %dma_wait3A_303 = arith.constant 0 : i32
      %dma_wait3A_304 = tpu.memref_slice %arg4[%dma_wait3A_303] : memref<51200xf32, #tpu.memory_space<vmem>> -> memref<12800xf32, #tpu.memory_space<vmem>>
      %dma_wait3A_305 = tpu.memref_slice %arg2[%add3A_299] : memref<10240000xf32, #tpu.memory_space<hbm>> -> memref<12800xf32, #tpu.memory_space<hbm>>
      tpu.wait_dma2 semaphore(%arg6 : memref<!tpu.dma_semaphore, #tpu.memory_space<semaphore_mem>>) src(%dma_wait3A_305 : memref<12800xf32, #tpu.memory_space<hbm>>) dst(%dma_wait3A_304 : memref<12800xf32, #tpu.memory_space<vmem>>)
      %add3A_306 = arith.constant 102400 : i32
      %add3A_307 = arith.addi %add3A_11, %add3A_306 : i32
      %dma_start3A_308 = arith.constant 0 : i32
      %dma_start3A_309 = tpu.memref_slice %arg4[%dma_start3A_308] : memref<51200xf32, #tpu.memory_space<vmem>> -> memref<12800xf32, #tpu.memory_space<vmem>>
      %dma_start3A_310 = tpu.memref_slice %arg3[%add3A_307] : memref<10240000xf32, #tpu.memory_space<hbm>> -> memref<12800xf32, #tpu.memory_space<hbm>>
      %dma_start3A_311 = tpu.memref_slice %arg3[%add3A_307] : memref<10240000xf32, #tpu.memory_space<hbm>> -> memref<12800xf32, #tpu.memory_space<hbm>>
      %dma_start3A_312 = arith.constant 0 : i32
      %dma_start3A_313 = tpu.memref_slice %arg4[%dma_start3A_312] : memref<51200xf32, #tpu.memory_space<vmem>> -> memref<12800xf32, #tpu.memory_space<vmem>>
      tpu.enqueue_dma source(%dma_start3A_313 : memref<12800xf32, #tpu.memory_space<vmem>>) target(%dma_start3A_311 : memref<12800xf32, #tpu.memory_space<hbm>>) target_semaphore(%arg10 : memref<!tpu.dma_semaphore, #tpu.memory_space<semaphore_mem>>)
      %add3A_314 = arith.constant 102400 : i32
      %add3A_315 = arith.addi %add3A_11, %add3A_314 : i32
      %dma_wait3A_316 = arith.constant 0 : i32
      %dma_wait3A_317 = tpu.memref_slice %arg4[%dma_wait3A_316] : memref<51200xf32, #tpu.memory_space<vmem>> -> memref<12800xf32, #tpu.memory_space<vmem>>
      %dma_wait3A_318 = tpu.memref_slice %arg3[%add3A_315] : memref<10240000xf32, #tpu.memory_space<hbm>> -> memref<12800xf32, #tpu.memory_space<hbm>>
      %dma_wait3A_319 = tpu.memref_slice %arg3[%add3A_315] : memref<10240000xf32, #tpu.memory_space<hbm>> -> memref<12800xf32, #tpu.memory_space<hbm>>
      %dma_wait3A_320 = arith.constant 0 : i32
      %dma_wait3A_321 = tpu.memref_slice %arg4[%dma_wait3A_320] : memref<51200xf32, #tpu.memory_space<vmem>> -> memref<12800xf32, #tpu.memory_space<vmem>>
      tpu.wait_dma2 semaphore(%arg10 : memref<!tpu.dma_semaphore, #tpu.memory_space<semaphore_mem>>) src(%dma_wait3A_321 : memref<12800xf32, #tpu.memory_space<vmem>>) dst(%dma_wait3A_319 : memref<12800xf32, #tpu.memory_space<hbm>>)
      %add3A_322 = arith.constant 153600 : i32
      %add3A_323 = arith.addi %add3A_11, %add3A_322 : i32
      %dma_start3A_324 = arith.constant 0 : i32
      %dma_start3A_325 = tpu.memref_slice %arg4[%dma_start3A_324] : memref<51200xf32, #tpu.memory_space<vmem>> -> memref<12800xf32, #tpu.memory_space<vmem>>
      %dma_start3A_326 = tpu.memref_slice %arg2[%add3A_323] : memref<10240000xf32, #tpu.memory_space<hbm>> -> memref<12800xf32, #tpu.memory_space<hbm>>
      %dma_start3A_327 = arith.constant 0 : i32
      %dma_start3A_328 = tpu.memref_slice %arg4[%dma_start3A_327] : memref<51200xf32, #tpu.memory_space<vmem>> -> memref<12800xf32, #tpu.memory_space<vmem>>
      %dma_start3A_329 = tpu.memref_slice %arg2[%add3A_323] : memref<10240000xf32, #tpu.memory_space<hbm>> -> memref<12800xf32, #tpu.memory_space<hbm>>
      tpu.enqueue_dma source(%dma_start3A_329 : memref<12800xf32, #tpu.memory_space<hbm>>) target(%dma_start3A_328 : memref<12800xf32, #tpu.memory_space<vmem>>) target_semaphore(%arg6 : memref<!tpu.dma_semaphore, #tpu.memory_space<semaphore_mem>>)
      %add3A_330 = arith.constant 115200 : i32
      %add3A_331 = arith.addi %add3A_11, %add3A_330 : i32
      %dma_wait3A_332 = arith.constant 12800 : i32
      %dma_wait3A_333 = tpu.memref_slice %arg4[%dma_wait3A_332] : memref<51200xf32, #tpu.memory_space<vmem>> -> memref<12800xf32, #tpu.memory_space<vmem>>
      %dma_wait3A_334 = tpu.memref_slice %arg2[%add3A_331] : memref<10240000xf32, #tpu.memory_space<hbm>> -> memref<12800xf32, #tpu.memory_space<hbm>>
      %dma_wait3A_335 = arith.constant 12800 : i32
      %dma_wait3A_336 = tpu.memref_slice %arg4[%dma_wait3A_335] : memref<51200xf32, #tpu.memory_space<vmem>> -> memref<12800xf32, #tpu.memory_space<vmem>>
      %dma_wait3A_337 = tpu.memref_slice %arg2[%add3A_331] : memref<10240000xf32, #tpu.memory_space<hbm>> -> memref<12800xf32, #tpu.memory_space<hbm>>
      tpu.wait_dma2 semaphore(%arg7 : memref<!tpu.dma_semaphore, #tpu.memory_space<semaphore_mem>>) src(%dma_wait3A_337 : memref<12800xf32, #tpu.memory_space<hbm>>) dst(%dma_wait3A_336 : memref<12800xf32, #tpu.memory_space<vmem>>)
      %add3A_338 = arith.constant 115200 : i32
      %add3A_339 = arith.addi %add3A_11, %add3A_338 : i32
      %dma_start3A_340 = arith.constant 12800 : i32
      %dma_start3A_341 = tpu.memref_slice %arg4[%dma_start3A_340] : memref<51200xf32, #tpu.memory_space<vmem>> -> memref<12800xf32, #tpu.memory_space<vmem>>
      %dma_start3A_342 = tpu.memref_slice %arg3[%add3A_339] : memref<10240000xf32, #tpu.memory_space<hbm>> -> memref<12800xf32, #tpu.memory_space<hbm>>
      %dma_start3A_343 = tpu.memref_slice %arg3[%add3A_339] : memref<10240000xf32, #tpu.memory_space<hbm>> -> memref<12800xf32, #tpu.memory_space<hbm>>
      %dma_start3A_344 = arith.constant 12800 : i32
      %dma_start3A_345 = tpu.memref_slice %arg4[%dma_start3A_344] : memref<51200xf32, #tpu.memory_space<vmem>> -> memref<12800xf32, #tpu.memory_space<vmem>>
      tpu.enqueue_dma source(%dma_start3A_345 : memref<12800xf32, #tpu.memory_space<vmem>>) target(%dma_start3A_343 : memref<12800xf32, #tpu.memory_space<hbm>>) target_semaphore(%arg11 : memref<!tpu.dma_semaphore, #tpu.memory_space<semaphore_mem>>)
      %add3A_346 = arith.constant 115200 : i32
      %add3A_347 = arith.addi %add3A_11, %add3A_346 : i32
      %dma_wait3A_348 = arith.constant 12800 : i32
      %dma_wait3A_349 = tpu.memref_slice %arg4[%dma_wait3A_348] : memref<51200xf32, #tpu.memory_space<vmem>> -> memref<12800xf32, #tpu.memory_space<vmem>>
      %dma_wait3A_350 = tpu.memref_slice %arg3[%add3A_347] : memref<10240000xf32, #tpu.memory_space<hbm>> -> memref<12800xf32, #tpu.memory_space<hbm>>
      %dma_wait3A_351 = tpu.memref_slice %arg3[%add3A_347] : memref<10240000xf32, #tpu.memory_space<hbm>> -> memref<12800xf32, #tpu.memory_space<hbm>>
      %dma_wait3A_352 = arith.constant 12800 : i32
      %dma_wait3A_353 = tpu.memref_slice %arg4[%dma_wait3A_352] : memref<51200xf32, #tpu.memory_space<vmem>> -> memref<12800xf32, #tpu.memory_space<vmem>>
      tpu.wait_dma2 semaphore(%arg11 : memref<!tpu.dma_semaphore, #tpu.memory_space<semaphore_mem>>) src(%dma_wait3A_353 : memref<12800xf32, #tpu.memory_space<vmem>>) dst(%dma_wait3A_351 : memref<12800xf32, #tpu.memory_space<hbm>>)
      %add3A_354 = arith.constant 166400 : i32
      %add3A_355 = arith.addi %add3A_11, %add3A_354 : i32
      %dma_start3A_356 = arith.constant 12800 : i32
      %dma_start3A_357 = tpu.memref_slice %arg4[%dma_start3A_356] : memref<51200xf32, #tpu.memory_space<vmem>> -> memref<12800xf32, #tpu.memory_space<vmem>>
      %dma_start3A_358 = tpu.memref_slice %arg2[%add3A_355] : memref<10240000xf32, #tpu.memory_space<hbm>> -> memref<12800xf32, #tpu.memory_space<hbm>>
      %dma_start3A_359 = arith.constant 12800 : i32
      %dma_start3A_360 = tpu.memref_slice %arg4[%dma_start3A_359] : memref<51200xf32, #tpu.memory_space<vmem>> -> memref<12800xf32, #tpu.memory_space<vmem>>
      %dma_start3A_361 = tpu.memref_slice %arg2[%add3A_355] : memref<10240000xf32, #tpu.memory_space<hbm>> -> memref<12800xf32, #tpu.memory_space<hbm>>
      tpu.enqueue_dma source(%dma_start3A_361 : memref<12800xf32, #tpu.memory_space<hbm>>) target(%dma_start3A_360 : memref<12800xf32, #tpu.memory_space<vmem>>) target_semaphore(%arg7 : memref<!tpu.dma_semaphore, #tpu.memory_space<semaphore_mem>>)
      %add3A_362 = arith.constant 128000 : i32
      %add3A_363 = arith.addi %add3A_11, %add3A_362 : i32
      %dma_wait3A_364 = arith.constant 25600 : i32
      %dma_wait3A_365 = tpu.memref_slice %arg4[%dma_wait3A_364] : memref<51200xf32, #tpu.memory_space<vmem>> -> memref<12800xf32, #tpu.memory_space<vmem>>
      %dma_wait3A_366 = tpu.memref_slice %arg2[%add3A_363] : memref<10240000xf32, #tpu.memory_space<hbm>> -> memref<12800xf32, #tpu.memory_space<hbm>>
      %dma_wait3A_367 = arith.constant 25600 : i32
      %dma_wait3A_368 = tpu.memref_slice %arg4[%dma_wait3A_367] : memref<51200xf32, #tpu.memory_space<vmem>> -> memref<12800xf32, #tpu.memory_space<vmem>>
      %dma_wait3A_369 = tpu.memref_slice %arg2[%add3A_363] : memref<10240000xf32, #tpu.memory_space<hbm>> -> memref<12800xf32, #tpu.memory_space<hbm>>
      tpu.wait_dma2 semaphore(%arg8 : memref<!tpu.dma_semaphore, #tpu.memory_space<semaphore_mem>>) src(%dma_wait3A_369 : memref<12800xf32, #tpu.memory_space<hbm>>) dst(%dma_wait3A_368 : memref<12800xf32, #tpu.memory_space<vmem>>)
      %add3A_370 = arith.constant 128000 : i32
      %add3A_371 = arith.addi %add3A_11, %add3A_370 : i32
      %dma_start3A_372 = arith.constant 25600 : i32
      %dma_start3A_373 = tpu.memref_slice %arg4[%dma_start3A_372] : memref<51200xf32, #tpu.memory_space<vmem>> -> memref<12800xf32, #tpu.memory_space<vmem>>
      %dma_start3A_374 = tpu.memref_slice %arg3[%add3A_371] : memref<10240000xf32, #tpu.memory_space<hbm>> -> memref<12800xf32, #tpu.memory_space<hbm>>
      %dma_start3A_375 = tpu.memref_slice %arg3[%add3A_371] : memref<10240000xf32, #tpu.memory_space<hbm>> -> memref<12800xf32, #tpu.memory_space<hbm>>
      %dma_start3A_376 = arith.constant 25600 : i32
      %dma_start3A_377 = tpu.memref_slice %arg4[%dma_start3A_376] : memref<51200xf32, #tpu.memory_space<vmem>> -> memref<12800xf32, #tpu.memory_space<vmem>>
      tpu.enqueue_dma source(%dma_start3A_377 : memref<12800xf32, #tpu.memory_space<vmem>>) target(%dma_start3A_375 : memref<12800xf32, #tpu.memory_space<hbm>>) target_semaphore(%arg12 : memref<!tpu.dma_semaphore, #tpu.memory_space<semaphore_mem>>)
      %add3A_378 = arith.constant 128000 : i32
      %add3A_379 = arith.addi %add3A_11, %add3A_378 : i32
      %dma_wait3A_380 = arith.constant 25600 : i32
      %dma_wait3A_381 = tpu.memref_slice %arg4[%dma_wait3A_380] : memref<51200xf32, #tpu.memory_space<vmem>> -> memref<12800xf32, #tpu.memory_space<vmem>>
      %dma_wait3A_382 = tpu.memref_slice %arg3[%add3A_379] : memref<10240000xf32, #tpu.memory_space<hbm>> -> memref<12800xf32, #tpu.memory_space<hbm>>
      %dma_wait3A_383 = tpu.memref_slice %arg3[%add3A_379] : memref<10240000xf32, #tpu.memory_space<hbm>> -> memref<12800xf32, #tpu.memory_space<hbm>>
      %dma_wait3A_384 = arith.constant 25600 : i32
      %dma_wait3A_385 = tpu.memref_slice %arg4[%dma_wait3A_384] : memref<51200xf32, #tpu.memory_space<vmem>> -> memref<12800xf32, #tpu.memory_space<vmem>>
      tpu.wait_dma2 semaphore(%arg12 : memref<!tpu.dma_semaphore, #tpu.memory_space<semaphore_mem>>) src(%dma_wait3A_385 : memref<12800xf32, #tpu.memory_space<vmem>>) dst(%dma_wait3A_383 : memref<12800xf32, #tpu.memory_space<hbm>>)
      %add3A_386 = arith.constant 179200 : i32
      %add3A_387 = arith.addi %add3A_11, %add3A_386 : i32
      %dma_start3A_388 = arith.constant 25600 : i32
      %dma_start3A_389 = tpu.memref_slice %arg4[%dma_start3A_388] : memref<51200xf32, #tpu.memory_space<vmem>> -> memref<12800xf32, #tpu.memory_space<vmem>>
      %dma_start3A_390 = tpu.memref_slice %arg2[%add3A_387] : memref<10240000xf32, #tpu.memory_space<hbm>> -> memref<12800xf32, #tpu.memory_space<hbm>>
      %dma_start3A_391 = arith.constant 25600 : i32
      %dma_start3A_392 = tpu.memref_slice %arg4[%dma_start3A_391] : memref<51200xf32, #tpu.memory_space<vmem>> -> memref<12800xf32, #tpu.memory_space<vmem>>
      %dma_start3A_393 = tpu.memref_slice %arg2[%add3A_387] : memref<10240000xf32, #tpu.memory_space<hbm>> -> memref<12800xf32, #tpu.memory_space<hbm>>
      tpu.enqueue_dma source(%dma_start3A_393 : memref<12800xf32, #tpu.memory_space<hbm>>) target(%dma_start3A_392 : memref<12800xf32, #tpu.memory_space<vmem>>) target_semaphore(%arg8 : memref<!tpu.dma_semaphore, #tpu.memory_space<semaphore_mem>>)
      %add3A_394 = arith.constant 140800 : i32
      %add3A_395 = arith.addi %add3A_11, %add3A_394 : i32
      %dma_wait3A_396 = arith.constant 38400 : i32
      %dma_wait3A_397 = tpu.memref_slice %arg4[%dma_wait3A_396] : memref<51200xf32, #tpu.memory_space<vmem>> -> memref<12800xf32, #tpu.memory_space<vmem>>
      %dma_wait3A_398 = tpu.memref_slice %arg2[%add3A_395] : memref<10240000xf32, #tpu.memory_space<hbm>> -> memref<12800xf32, #tpu.memory_space<hbm>>
      %dma_wait3A_399 = arith.constant 38400 : i32
      %dma_wait3A_400 = tpu.memref_slice %arg4[%dma_wait3A_399] : memref<51200xf32, #tpu.memory_space<vmem>> -> memref<12800xf32, #tpu.memory_space<vmem>>
      %dma_wait3A_401 = tpu.memref_slice %arg2[%add3A_395] : memref<10240000xf32, #tpu.memory_space<hbm>> -> memref<12800xf32, #tpu.memory_space<hbm>>
      tpu.wait_dma2 semaphore(%arg9 : memref<!tpu.dma_semaphore, #tpu.memory_space<semaphore_mem>>) src(%dma_wait3A_401 : memref<12800xf32, #tpu.memory_space<hbm>>) dst(%dma_wait3A_400 : memref<12800xf32, #tpu.memory_space<vmem>>)
      %add3A_402 = arith.constant 140800 : i32
      %add3A_403 = arith.addi %add3A_11, %add3A_402 : i32
      %dma_start3A_404 = arith.constant 38400 : i32
      %dma_start3A_405 = tpu.memref_slice %arg4[%dma_start3A_404] : memref<51200xf32, #tpu.memory_space<vmem>> -> memref<12800xf32, #tpu.memory_space<vmem>>
      %dma_start3A_406 = tpu.memref_slice %arg3[%add3A_403] : memref<10240000xf32, #tpu.memory_space<hbm>> -> memref<12800xf32, #tpu.memory_space<hbm>>
      %dma_start3A_407 = tpu.memref_slice %arg3[%add3A_403] : memref<10240000xf32, #tpu.memory_space<hbm>> -> memref<12800xf32, #tpu.memory_space<hbm>>
      %dma_start3A_408 = arith.constant 38400 : i32
      %dma_start3A_409 = tpu.memref_slice %arg4[%dma_start3A_408] : memref<51200xf32, #tpu.memory_space<vmem>> -> memref<12800xf32, #tpu.memory_space<vmem>>
      tpu.enqueue_dma source(%dma_start3A_409 : memref<12800xf32, #tpu.memory_space<vmem>>) target(%dma_start3A_407 : memref<12800xf32, #tpu.memory_space<hbm>>) target_semaphore(%arg13 : memref<!tpu.dma_semaphore, #tpu.memory_space<semaphore_mem>>)
      %add3A_410 = arith.constant 140800 : i32
      %add3A_411 = arith.addi %add3A_11, %add3A_410 : i32
      %dma_wait3A_412 = arith.constant 38400 : i32
      %dma_wait3A_413 = tpu.memref_slice %arg4[%dma_wait3A_412] : memref<51200xf32, #tpu.memory_space<vmem>> -> memref<12800xf32, #tpu.memory_space<vmem>>
      %dma_wait3A_414 = tpu.memref_slice %arg3[%add3A_411] : memref<10240000xf32, #tpu.memory_space<hbm>> -> memref<12800xf32, #tpu.memory_space<hbm>>
      %dma_wait3A_415 = tpu.memref_slice %arg3[%add3A_411] : memref<10240000xf32, #tpu.memory_space<hbm>> -> memref<12800xf32, #tpu.memory_space<hbm>>
      %dma_wait3A_416 = arith.constant 38400 : i32
      %dma_wait3A_417 = tpu.memref_slice %arg4[%dma_wait3A_416] : memref<51200xf32, #tpu.memory_space<vmem>> -> memref<12800xf32, #tpu.memory_space<vmem>>
      tpu.wait_dma2 semaphore(%arg13 : memref<!tpu.dma_semaphore, #tpu.memory_space<semaphore_mem>>) src(%dma_wait3A_417 : memref<12800xf32, #tpu.memory_space<vmem>>) dst(%dma_wait3A_415 : memref<12800xf32, #tpu.memory_space<hbm>>)
      %add3A_418 = arith.constant 192000 : i32
      %add3A_419 = arith.addi %add3A_11, %add3A_418 : i32
      %dma_start3A_420 = arith.constant 38400 : i32
      %dma_start3A_421 = tpu.memref_slice %arg4[%dma_start3A_420] : memref<51200xf32, #tpu.memory_space<vmem>> -> memref<12800xf32, #tpu.memory_space<vmem>>
      %dma_start3A_422 = tpu.memref_slice %arg2[%add3A_419] : memref<10240000xf32, #tpu.memory_space<hbm>> -> memref<12800xf32, #tpu.memory_space<hbm>>
      %dma_start3A_423 = arith.constant 38400 : i32
      %dma_start3A_424 = tpu.memref_slice %arg4[%dma_start3A_423] : memref<51200xf32, #tpu.memory_space<vmem>> -> memref<12800xf32, #tpu.memory_space<vmem>>
      %dma_start3A_425 = tpu.memref_slice %arg2[%add3A_419] : memref<10240000xf32, #tpu.memory_space<hbm>> -> memref<12800xf32, #tpu.memory_space<hbm>>
      tpu.enqueue_dma source(%dma_start3A_425 : memref<12800xf32, #tpu.memory_space<hbm>>) target(%dma_start3A_424 : memref<12800xf32, #tpu.memory_space<vmem>>) target_semaphore(%arg9 : memref<!tpu.dma_semaphore, #tpu.memory_space<semaphore_mem>>)
      %add3A_426 = arith.constant 153600 : i32
      %add3A_427 = arith.addi %add3A_11, %add3A_426 : i32
      %dma_wait3A_428 = arith.constant 0 : i32
      %dma_wait3A_429 = tpu.memref_slice %arg4[%dma_wait3A_428] : memref<51200xf32, #tpu.memory_space<vmem>> -> memref<12800xf32, #tpu.memory_space<vmem>>
      %dma_wait3A_430 = tpu.memref_slice %arg2[%add3A_427] : memref<10240000xf32, #tpu.memory_space<hbm>> -> memref<12800xf32, #tpu.memory_space<hbm>>
      %dma_wait3A_431 = arith.constant 0 : i32
      %dma_wait3A_432 = tpu.memref_slice %arg4[%dma_wait3A_431] : memref<51200xf32, #tpu.memory_space<vmem>> -> memref<12800xf32, #tpu.memory_space<vmem>>
      %dma_wait3A_433 = tpu.memref_slice %arg2[%add3A_427] : memref<10240000xf32, #tpu.memory_space<hbm>> -> memref<12800xf32, #tpu.memory_space<hbm>>
      tpu.wait_dma2 semaphore(%arg6 : memref<!tpu.dma_semaphore, #tpu.memory_space<semaphore_mem>>) src(%dma_wait3A_433 : memref<12800xf32, #tpu.memory_space<hbm>>) dst(%dma_wait3A_432 : memref<12800xf32, #tpu.memory_space<vmem>>)
      %add3A_434 = arith.constant 153600 : i32
      %add3A_435 = arith.addi %add3A_11, %add3A_434 : i32
      %dma_start3A_436 = arith.constant 0 : i32
      %dma_start3A_437 = tpu.memref_slice %arg4[%dma_start3A_436] : memref<51200xf32, #tpu.memory_space<vmem>> -> memref<12800xf32, #tpu.memory_space<vmem>>
      %dma_start3A_438 = tpu.memref_slice %arg3[%add3A_435] : memref<10240000xf32, #tpu.memory_space<hbm>> -> memref<12800xf32, #tpu.memory_space<hbm>>
      %dma_start3A_439 = tpu.memref_slice %arg3[%add3A_435] : memref<10240000xf32, #tpu.memory_space<hbm>> -> memref<12800xf32, #tpu.memory_space<hbm>>
      %dma_start3A_440 = arith.constant 0 : i32
      %dma_start3A_441 = tpu.memref_slice %arg4[%dma_start3A_440] : memref<51200xf32, #tpu.memory_space<vmem>> -> memref<12800xf32, #tpu.memory_space<vmem>>
      tpu.enqueue_dma source(%dma_start3A_441 : memref<12800xf32, #tpu.memory_space<vmem>>) target(%dma_start3A_439 : memref<12800xf32, #tpu.memory_space<hbm>>) target_semaphore(%arg10 : memref<!tpu.dma_semaphore, #tpu.memory_space<semaphore_mem>>)
      %add3A_442 = arith.constant 166400 : i32
      %add3A_443 = arith.addi %add3A_11, %add3A_442 : i32
      %dma_wait3A_444 = arith.constant 12800 : i32
      %dma_wait3A_445 = tpu.memref_slice %arg4[%dma_wait3A_444] : memref<51200xf32, #tpu.memory_space<vmem>> -> memref<12800xf32, #tpu.memory_space<vmem>>
      %dma_wait3A_446 = tpu.memref_slice %arg2[%add3A_443] : memref<10240000xf32, #tpu.memory_space<hbm>> -> memref<12800xf32, #tpu.memory_space<hbm>>
      %dma_wait3A_447 = arith.constant 12800 : i32
      %dma_wait3A_448 = tpu.memref_slice %arg4[%dma_wait3A_447] : memref<51200xf32, #tpu.memory_space<vmem>> -> memref<12800xf32, #tpu.memory_space<vmem>>
      %dma_wait3A_449 = tpu.memref_slice %arg2[%add3A_443] : memref<10240000xf32, #tpu.memory_space<hbm>> -> memref<12800xf32, #tpu.memory_space<hbm>>
      tpu.wait_dma2 semaphore(%arg7 : memref<!tpu.dma_semaphore, #tpu.memory_space<semaphore_mem>>) src(%dma_wait3A_449 : memref<12800xf32, #tpu.memory_space<hbm>>) dst(%dma_wait3A_448 : memref<12800xf32, #tpu.memory_space<vmem>>)
      %add3A_450 = arith.constant 166400 : i32
      %add3A_451 = arith.addi %add3A_11, %add3A_450 : i32
      %dma_start3A_452 = arith.constant 12800 : i32
      %dma_start3A_453 = tpu.memref_slice %arg4[%dma_start3A_452] : memref<51200xf32, #tpu.memory_space<vmem>> -> memref<12800xf32, #tpu.memory_space<vmem>>
      %dma_start3A_454 = tpu.memref_slice %arg3[%add3A_451] : memref<10240000xf32, #tpu.memory_space<hbm>> -> memref<12800xf32, #tpu.memory_space<hbm>>
      %dma_start3A_455 = tpu.memref_slice %arg3[%add3A_451] : memref<10240000xf32, #tpu.memory_space<hbm>> -> memref<12800xf32, #tpu.memory_space<hbm>>
      %dma_start3A_456 = arith.constant 12800 : i32
      %dma_start3A_457 = tpu.memref_slice %arg4[%dma_start3A_456] : memref<51200xf32, #tpu.memory_space<vmem>> -> memref<12800xf32, #tpu.memory_space<vmem>>
      tpu.enqueue_dma source(%dma_start3A_457 : memref<12800xf32, #tpu.memory_space<vmem>>) target(%dma_start3A_455 : memref<12800xf32, #tpu.memory_space<hbm>>) target_semaphore(%arg11 : memref<!tpu.dma_semaphore, #tpu.memory_space<semaphore_mem>>)
      %add3A_458 = arith.constant 179200 : i32
      %add3A_459 = arith.addi %add3A_11, %add3A_458 : i32
      %dma_wait3A_460 = arith.constant 25600 : i32
      %dma_wait3A_461 = tpu.memref_slice %arg4[%dma_wait3A_460] : memref<51200xf32, #tpu.memory_space<vmem>> -> memref<12800xf32, #tpu.memory_space<vmem>>
      %dma_wait3A_462 = tpu.memref_slice %arg2[%add3A_459] : memref<10240000xf32, #tpu.memory_space<hbm>> -> memref<12800xf32, #tpu.memory_space<hbm>>
      %dma_wait3A_463 = arith.constant 25600 : i32
      %dma_wait3A_464 = tpu.memref_slice %arg4[%dma_wait3A_463] : memref<51200xf32, #tpu.memory_space<vmem>> -> memref<12800xf32, #tpu.memory_space<vmem>>
      %dma_wait3A_465 = tpu.memref_slice %arg2[%add3A_459] : memref<10240000xf32, #tpu.memory_space<hbm>> -> memref<12800xf32, #tpu.memory_space<hbm>>
      tpu.wait_dma2 semaphore(%arg8 : memref<!tpu.dma_semaphore, #tpu.memory_space<semaphore_mem>>) src(%dma_wait3A_465 : memref<12800xf32, #tpu.memory_space<hbm>>) dst(%dma_wait3A_464 : memref<12800xf32, #tpu.memory_space<vmem>>)
      %add3A_466 = arith.constant 179200 : i32
      %add3A_467 = arith.addi %add3A_11, %add3A_466 : i32
      %dma_start3A_468 = arith.constant 25600 : i32
      %dma_start3A_469 = tpu.memref_slice %arg4[%dma_start3A_468] : memref<51200xf32, #tpu.memory_space<vmem>> -> memref<12800xf32, #tpu.memory_space<vmem>>
      %dma_start3A_470 = tpu.memref_slice %arg3[%add3A_467] : memref<10240000xf32, #tpu.memory_space<hbm>> -> memref<12800xf32, #tpu.memory_space<hbm>>
      %dma_start3A_471 = tpu.memref_slice %arg3[%add3A_467] : memref<10240000xf32, #tpu.memory_space<hbm>> -> memref<12800xf32, #tpu.memory_space<hbm>>
      %dma_start3A_472 = arith.constant 25600 : i32
      %dma_start3A_473 = tpu.memref_slice %arg4[%dma_start3A_472] : memref<51200xf32, #tpu.memory_space<vmem>> -> memref<12800xf32, #tpu.memory_space<vmem>>
      tpu.enqueue_dma source(%dma_start3A_473 : memref<12800xf32, #tpu.memory_space<vmem>>) target(%dma_start3A_471 : memref<12800xf32, #tpu.memory_space<hbm>>) target_semaphore(%arg12 : memref<!tpu.dma_semaphore, #tpu.memory_space<semaphore_mem>>)
      %add3A_474 = arith.constant 192000 : i32
      %add3A_475 = arith.addi %add3A_11, %add3A_474 : i32
      %dma_wait3A_476 = arith.constant 38400 : i32
      %dma_wait3A_477 = tpu.memref_slice %arg4[%dma_wait3A_476] : memref<51200xf32, #tpu.memory_space<vmem>> -> memref<12800xf32, #tpu.memory_space<vmem>>
      %dma_wait3A_478 = tpu.memref_slice %arg2[%add3A_475] : memref<10240000xf32, #tpu.memory_space<hbm>> -> memref<12800xf32, #tpu.memory_space<hbm>>
      %dma_wait3A_479 = arith.constant 38400 : i32
      %dma_wait3A_480 = tpu.memref_slice %arg4[%dma_wait3A_479] : memref<51200xf32, #tpu.memory_space<vmem>> -> memref<12800xf32, #tpu.memory_space<vmem>>
      %dma_wait3A_481 = tpu.memref_slice %arg2[%add3A_475] : memref<10240000xf32, #tpu.memory_space<hbm>> -> memref<12800xf32, #tpu.memory_space<hbm>>
      tpu.wait_dma2 semaphore(%arg9 : memref<!tpu.dma_semaphore, #tpu.memory_space<semaphore_mem>>) src(%dma_wait3A_481 : memref<12800xf32, #tpu.memory_space<hbm>>) dst(%dma_wait3A_480 : memref<12800xf32, #tpu.memory_space<vmem>>)
      %add3A_482 = arith.constant 192000 : i32
      %add3A_483 = arith.addi %add3A_11, %add3A_482 : i32
      %dma_start3A_484 = arith.constant 38400 : i32
      %dma_start3A_485 = tpu.memref_slice %arg4[%dma_start3A_484] : memref<51200xf32, #tpu.memory_space<vmem>> -> memref<12800xf32, #tpu.memory_space<vmem>>
      %dma_start3A_486 = tpu.memref_slice %arg3[%add3A_483] : memref<10240000xf32, #tpu.memory_space<hbm>> -> memref<12800xf32, #tpu.memory_space<hbm>>
      %dma_start3A_487 = tpu.memref_slice %arg3[%add3A_483] : memref<10240000xf32, #tpu.memory_space<hbm>> -> memref<12800xf32, #tpu.memory_space<hbm>>
      %dma_start3A_488 = arith.constant 38400 : i32
      %dma_start3A_489 = tpu.memref_slice %arg4[%dma_start3A_488] : memref<51200xf32, #tpu.memory_space<vmem>> -> memref<12800xf32, #tpu.memory_space<vmem>>
      tpu.enqueue_dma source(%dma_start3A_489 : memref<12800xf32, #tpu.memory_space<vmem>>) target(%dma_start3A_487 : memref<12800xf32, #tpu.memory_space<hbm>>) target_semaphore(%arg13 : memref<!tpu.dma_semaphore, #tpu.memory_space<semaphore_mem>>)
      %add3A_490 = arith.constant 153600 : i32
      %add3A_491 = arith.addi %add3A_11, %add3A_490 : i32
      %dma_wait3A_492 = arith.constant 0 : i32
      %dma_wait3A_493 = tpu.memref_slice %arg4[%dma_wait3A_492] : memref<51200xf32, #tpu.memory_space<vmem>> -> memref<12800xf32, #tpu.memory_space<vmem>>
      %dma_wait3A_494 = tpu.memref_slice %arg3[%add3A_491] : memref<10240000xf32, #tpu.memory_space<hbm>> -> memref<12800xf32, #tpu.memory_space<hbm>>
      %dma_wait3A_495 = tpu.memref_slice %arg3[%add3A_491] : memref<10240000xf32, #tpu.memory_space<hbm>> -> memref<12800xf32, #tpu.memory_space<hbm>>
      %dma_wait3A_496 = arith.constant 0 : i32
      %dma_wait3A_497 = tpu.memref_slice %arg4[%dma_wait3A_496] : memref<51200xf32, #tpu.memory_space<vmem>> -> memref<12800xf32, #tpu.memory_space<vmem>>
      tpu.wait_dma2 semaphore(%arg10 : memref<!tpu.dma_semaphore, #tpu.memory_space<semaphore_mem>>) src(%dma_wait3A_497 : memref<12800xf32, #tpu.memory_space<vmem>>) dst(%dma_wait3A_495 : memref<12800xf32, #tpu.memory_space<hbm>>)
      %add3A_498 = arith.constant 166400 : i32
      %add3A_499 = arith.addi %add3A_11, %add3A_498 : i32
      %dma_wait3A_500 = arith.constant 12800 : i32
      %dma_wait3A_501 = tpu.memref_slice %arg4[%dma_wait3A_500] : memref<51200xf32, #tpu.memory_space<vmem>> -> memref<12800xf32, #tpu.memory_space<vmem>>
      %dma_wait3A_502 = tpu.memref_slice %arg3[%add3A_499] : memref<10240000xf32, #tpu.memory_space<hbm>> -> memref<12800xf32, #tpu.memory_space<hbm>>
      %dma_wait3A_503 = tpu.memref_slice %arg3[%add3A_499] : memref<10240000xf32, #tpu.memory_space<hbm>> -> memref<12800xf32, #tpu.memory_space<hbm>>
      %dma_wait3A_504 = arith.constant 12800 : i32
      %dma_wait3A_505 = tpu.memref_slice %arg4[%dma_wait3A_504] : memref<51200xf32, #tpu.memory_space<vmem>> -> memref<12800xf32, #tpu.memory_space<vmem>>
      tpu.wait_dma2 semaphore(%arg11 : memref<!tpu.dma_semaphore, #tpu.memory_space<semaphore_mem>>) src(%dma_wait3A_505 : memref<12800xf32, #tpu.memory_space<vmem>>) dst(%dma_wait3A_503 : memref<12800xf32, #tpu.memory_space<hbm>>)
      %add3A_506 = arith.constant 179200 : i32
      %add3A_507 = arith.addi %add3A_11, %add3A_506 : i32
      %dma_wait3A_508 = arith.constant 25600 : i32
      %dma_wait3A_509 = tpu.memref_slice %arg4[%dma_wait3A_508] : memref<51200xf32, #tpu.memory_space<vmem>> -> memref<12800xf32, #tpu.memory_space<vmem>>
      %dma_wait3A_510 = tpu.memref_slice %arg3[%add3A_507] : memref<10240000xf32, #tpu.memory_space<hbm>> -> memref<12800xf32, #tpu.memory_space<hbm>>
      %dma_wait3A_511 = tpu.memref_slice %arg3[%add3A_507] : memref<10240000xf32, #tpu.memory_space<hbm>> -> memref<12800xf32, #tpu.memory_space<hbm>>
      %dma_wait3A_512 = arith.constant 25600 : i32
      %dma_wait3A_513 = tpu.memref_slice %arg4[%dma_wait3A_512] : memref<51200xf32, #tpu.memory_space<vmem>> -> memref<12800xf32, #tpu.memory_space<vmem>>
      tpu.wait_dma2 semaphore(%arg12 : memref<!tpu.dma_semaphore, #tpu.memory_space<semaphore_mem>>) src(%dma_wait3A_513 : memref<12800xf32, #tpu.memory_space<vmem>>) dst(%dma_wait3A_511 : memref<12800xf32, #tpu.memory_space<hbm>>)
      %add3A_514 = arith.constant 192000 : i32
      %add3A_515 = arith.addi %add3A_11, %add3A_514 : i32
      %dma_wait3A_516 = arith.constant 38400 : i32
      %dma_wait3A_517 = tpu.memref_slice %arg4[%dma_wait3A_516] : memref<51200xf32, #tpu.memory_space<vmem>> -> memref<12800xf32, #tpu.memory_space<vmem>>
      %dma_wait3A_518 = tpu.memref_slice %arg3[%add3A_515] : memref<10240000xf32, #tpu.memory_space<hbm>> -> memref<12800xf32, #tpu.memory_space<hbm>>
      %dma_wait3A_519 = tpu.memref_slice %arg3[%add3A_515] : memref<10240000xf32, #tpu.memory_space<hbm>> -> memref<12800xf32, #tpu.memory_space<hbm>>
      %dma_wait3A_520 = arith.constant 38400 : i32
      %dma_wait3A_521 = tpu.memref_slice %arg4[%dma_wait3A_520] : memref<51200xf32, #tpu.memory_space<vmem>> -> memref<12800xf32, #tpu.memory_space<vmem>>
      tpu.wait_dma2 semaphore(%arg13 : memref<!tpu.dma_semaphore, #tpu.memory_space<semaphore_mem>>) src(%dma_wait3A_521 : memref<12800xf32, #tpu.memory_space<vmem>>) dst(%dma_wait3A_519 : memref<12800xf32, #tpu.memory_space<hbm>>)
    } else {
    }
    return
  }
}

</mosaic_0001>

<sc_bundles>
// kernel: kernel.3.cloned.1.call-start
scs
__scs_entry_jumppad:
0x0: {  	(pc) =	sbr.rel $0x88, $3  }
0x1: {  	(tag) =	ssettag $0x0;
	lr =	simm.s32 $0x1  }
0x2: {  	[smem:$0x3FA0] =	sst lr;
	_ =	strace $0xD0000000  }
0x3: {  	_ = 	snop  }
0x4: {  	_ = 	snop  }
0x5: {  	_ = 	snop  }
0x6: {  	_ = 	snop  }
0x7: {  	_ = 	snop  }
__scs_overlays_trampoline_lowered:
0x8: {  	[smem:$0x3FAF] =	sst s0  }
0x9: {  	[smem:$0x3FB0] =	sst s1  }
0xa: {  	[smem:$0x3FB1] =	sst s2  }
0xb: {  	[smem:$0x3FB2] =	sst s3  }
0xc: {  	[smem:$0x3FB3] =	sst s4  }
0xd: {  	[smem:$0x3FB4] =	sst s5  }
0xe: {  	[smem:$0x3FB5] =	sst s6  }
0xf: {  	[smem:$0x3FB6] =	sst s7  }
0x10: {  	[smem:$0x3FB7] =	sst s8  }
0x11: {  	[smem:$0x3FB8] =	sst s9;
	s0 =	simm.s32 @!p0 $0x0  }
0x12: {  	s1 =	sld [smem:$0x3F9E];
	s0 =	simm.s32 @p0 $0x1  }
0x13: {  	[smem:$0x3FB9] =	sst s0;
	s0 =	simm.s32 @!p1 $0x0  }
0x14: {  	s2 =	sld [smem:$0x3F9D];
	s0 =	simm.s32 @p1 $0x1  }
0x15: {  	[smem:$0x3FBA] =	sst s0;
	s0 =	simm.s32 @!p2 $0x0  }
0x16: {  	s3 =	sld [smem:$0x3FDB];
	s0 =	simm.s32 @p2 $0x1  }
0x17: {  	s4 =	simm.s32 $0x1BF5;
	[smem:$0x3FBC] =	sst s0  }
0x18: {  	s0 =	sld [smem:$0x3F9F];
	_ =	swait.ge [sflag:s4], $0x0  }
0x19: {  	s7 =	sld [smem:$0x3FA0]  }
0x1a: {  	s8 =	sadd.s32 $0xFFFFE003, lr  }
0x1b: {  	s9 =	sadd.s32 $0xFFFFFEF7, lr;
	s5 =	simm.s32 $0xFFFFFFFF;
	p2 =	slt.u32 s8, $0xFFFFF086  }
0x1c: {  	p1 =	slt.u32 s9, $0xF7A;
	s5 =	simm.s32 @!p2 $0x0  }
0x1d: {  	s5 =	simm.s32 @p1 $0x1;
	p0 =	seq.s32 s7, s2  }
0x1e: {  	s7 =	smul.u32 @!p0 $0xF7A, s2;
	p2 =	seq.s32 @!p0 s5, $0x0  }
0x1f: {  	s9 =	smul.u32 $0xF7A, s1;
	s8 =	simm.s32 @!p0 $0x1BF5;
	p2 =	por !p2, p0  }
0x20: {  	[sflag:s8] =	ssyncset.s32 @!p0 $0xFFFFF086;
	s6 =	sadd.s32 @!p0 s3, s7;
	s7 =	simm.s32 @!p0 $0x108  }
0x21: {  	s3 =	sadd.s32 s3, s9;
	s6 =	sadd.s32 @!p0 $0x88, s6;
	s7 =	simm.s32 @p2 $0x1082  }
0x22: {  	[simem:s7], [sflag:s8] =	dma.local @!p0 [hbm:s6], $0xF7A  }
0x23: {  	s9 =	sor.u32 $0xD0000000, s2;
	s6 =	simm.s32 $0x108;
	_ =	swait.ge @!p0 [sflag:s8], $0x0  }
0x24: {  	s3 =	sadd.s32 $0x88, s3;
	s6 =	simm.s32 @!p1 $0x1082;
	[sflag:s4] =	ssyncset.s32 $0xFFFFF086  }
0x25: {  	[simem:s6], [sflag:s4] =	dma.local [hbm:s3], $0xF7A  }
0x26: {  	[smem:$0x3FA0] =	sst s1;
	(tag) =	ssettag s2;
	_ =	strace s9  }
0x27: {  	s1 =	sld [smem:$0x3FB0]  }
0x28: {  	s2 =	sld [smem:$0x3FB1]  }
0x29: {  	s4 =	sld [smem:$0x3FB3]  }
0x2a: {  	p0 =	seq.s32 s5, $0x0;
	s5 =	sld [smem:$0x3FB4]  }
0x2b: {  	s6 =	sld [smem:$0x3FB5]  }
0x2c: {  	s7 =	sld [smem:$0x3FB6]  }
0x2d: {  	s3 =	simm.s32 $0x108;
	s8 =	sld [smem:$0x3FB7]  }
0x2e: {  	s3 =	simm.s32 @!p0 $0x1082;
	s9 =	sld [smem:$0x3FB8]  }
0x2f: {  	lr =	sadd.s32 s0, s3;
	s0 =	sld [smem:$0x3FAF]  }
0x30: {  	s3 =	sld [smem:$0x3FB2]  }
0x31: {  	[smem:$0x3FBB] =	sst s10  }
0x32: {  	s10 =	sld [smem:$0x3FB9];
	_ =	sdelay $0x3  }
0x33: {  	p0 =	seq.s32 s10, $0x1;
	s10 =	sld [smem:$0x3FBB];
	_ =	sdelay $0x3  }
0x34: {  	[smem:$0x3FBB] =	sst s10  }
0x35: {  	s10 =	sld [smem:$0x3FBA];
	_ =	sdelay $0x3  }
0x36: {  	p1 =	seq.s32 s10, $0x1;
	s10 =	sld [smem:$0x3FBB];
	_ =	sdelay $0x3  }
0x37: {  	[smem:$0x3FBB] =	sst s10  }
0x38: {  	s10 =	sld [smem:$0x3FBC]  }
0x39: {  	_ = 	snop;
	(pc) =	sbr.ind lr, $3  }
0x3a: {  	_ = 	snop  }
0x3b: {  	_ = 	snop  }
0x3c: {  	p2 =	seq.s32 s10, $0x1;
	s10 =	sld [smem:$0x3FBB]  }
0x3d: {  	_ =	shalt  }
0x3e: {  	_ =	shalt  }
0x3f: {  	_ =	shalt  }
0x40: {  	_ =	shalt  }
0x41: {  	_ =	shalt  }
0x42: {  	_ =	shalt  }
0x43: {  	_ =	shalt  }
0x44: {  	_ =	shalt  }
0x45: {  	_ =	shalt  }
0x46: {  	_ =	shalt  }
0x47: {  	_ =	shalt  }
0x48: {  	_ =	shalt  }
0x49: {  	_ =	shalt  }
0x4a: {  	_ =	shalt  }
0x4b: {  	_ =	shalt  }
0x4c: {  	_ =	shalt  }
0x4d: {  	_ =	shalt  }
0x4e: {  	_ =	shalt  }
0x4f: {  	_ =	shalt  }
0x50: {  	_ =	shalt  }
0x51: {  	_ =	shalt  }
0x52: {  	_ =	shalt  }
0x53: {  	_ =	shalt  }
0x54: {  	_ =	shalt  }
0x55: {  	_ =	shalt  }
0x56: {  	_ =	shalt  }
0x57: {  	_ =	shalt  }
0x58: {  	_ =	shalt  }
0x59: {  	_ =	shalt  }
0x5a: {  	_ =	shalt  }
0x5b: {  	_ =	shalt  }
0x5c: {  	_ =	shalt  }
0x5d: {  	_ =	shalt  }
0x5e: {  	_ =	shalt  }
0x5f: {  	_ =	shalt  }
0x60: {  	_ =	shalt  }
0x61: {  	_ =	shalt  }
0x62: {  	_ =	shalt  }
0x63: {  	_ =	shalt  }
0x64: {  	_ =	shalt  }
0x65: {  	_ =	shalt  }
0x66: {  	_ =	shalt  }
0x67: {  	_ =	shalt  }
0x68: {  	_ =	shalt  }
0x69: {  	_ =	shalt  }
0x6a: {  	_ =	shalt  }
0x6b: {  	_ =	shalt  }
0x6c: {  	_ =	shalt  }
0x6d: {  	_ =	shalt  }
0x6e: {  	_ =	shalt  }
0x6f: {  	_ =	shalt  }
0x70: {  	_ =	shalt  }
0x71: {  	_ =	shalt  }
0x72: {  	_ =	shalt  }
0x73: {  	_ =	shalt  }
0x74: {  	_ =	shalt  }
0x75: {  	_ =	shalt  }
0x76: {  	_ =	shalt  }
0x77: {  	_ =	shalt  }
0x78: {  	_ =	shalt  }
0x79: {  	_ =	shalt  }
0x7a: {  	_ =	shalt  }
0x7b: {  	_ =	shalt  }
0x7c: {  	_ =	shalt  }
0x7d: {  	_ =	shalt  }
0x7e: {  	_ =	shalt  }
0x7f: {  	_ =	shalt  }
0x80: {  	_ =	shalt  }
0x81: {  	_ =	shalt  }
0x82: {  	_ =	shalt  }
0x83: {  	_ =	shalt  }
0x84: {  	_ =	shalt  }
0x85: {  	_ =	shalt  }
0x86: {  	_ =	shalt  }
0x87: {  	_ =	shalt  }
.Lfunc_end0:
.L_simem_size_0:
called_computation_lowered:
.L_overlay_start_0:
0x88: {  	s2 =	sld [smem:$0x3FD9]  }
0x89: {  	s3 =	sld [smem:$0x3FFE];
	_ =	sdelay $0x1  }
0x8a: {  	s1 =	srdreg.scid  }
0x8b: {  	s0 =	sand.u32 $0x1, s1  }
0x8c: {  	s18 =	sshll.u32 s0, $0xA;
	s2 =	sadd.s32 s3, s2  }
0x8d: {  	s2 =	sadd.s32 s2, s18  }
0x8e: {  	[smem:$0x3FC7] =	sst s2  }
0x8f: {  	_ = 	snop  }
0x90: {  	s2 =	sld [smem:$0x3FC9]  }
0x91: {  	s19 =	sld [smem:$0x3FD0];
	(tm) =	ssettm $0x1  }
0x92: {  	s4 =	sld [smem:$0x3FFB];
	_ =	sdelay $0x3  }
0x93: {  	_ =	strace s4  }
0x94: {  	s4 =	sld [smem:$0x3FFC];
	_ =	sdelay $0x3  }
0x95: {  	_ =	strace s4  }
0x96: {  	s4 =	sld [smem:$0x3FFD];
	_ =	sdelay $0x3  }
0x97: {  	_ =	strace s4  }
0x98: {  	_ =	strace $0x8FFFFFFF  }
0x99: {  	s20 =	sld [smem:$0x3FDB];
	_ =	sdelay $0x1  }
0x9a: {  	s5 =	simm.s32 $_scs_section_size  }
0x9b: {  	s6 =	simm.s32 $_size__tile_overlayer_lowered;
	s7 =	simm.s32 $_tile_overlayer_lowered  }
0x9c: {  	s23 =	simm.s32 $0x1BFF;
	s22 =	sshll.u32 s7, $0x1;
	s4 =	sadd.s32 s5, s20  }
0x9d: {  	s8 =	simm.s32 $0x0;
	s21 =	sshll.u32 s6, $0x1;
	s6 =	sadd.s32 s22, s4  }
0x9e: {  	[timem:s8], [sflag:s23] =	dma.local [hbm:s6], s21  }
0x9f: {  	_ =	swait.ge [sflag:s23], s21  }
0xa0: {  	s5 =	ssub.s32 $0x0, s21;
	[sflag:s23] =	ssyncset.done $0x0  }
0xa1: {  	[sflag:s23] =	ssyncadd.s32 s5;
	_ =	sdelay $0x1  }
0xa2: {  	s24 =	simm.s32 $0x1B8B  }
0xa3: {  	_ =	swait.ge [sflag:s24], $0x1  }
0xa4: {  	[sflag:s24] =	ssyncset.done $0x0  }
0xa5: {  	s25 =	simm.s32 $0x1B8E;
	[sflag:s24] =	ssyncadd.s32 $0xFFFFFFFF  }
0xa6: {  	s26 =	simm.s32 $execute0_lowered;
	[smem:$0x3FD2] =	sst s25  }
0xa7: {  	s5 =	sshll.u32 s26, $0x1;
	_ =	strace $0x80000046;
	[dreg:$0x1] =	wrdreg $0xFFFFFFFF  }
0xa8: {  	s28 =	simm.s32 $_size_execute0_lowered;
	s4 =	sadd.s32 s4, s5;
	[dreg:$0x0] =	wrdreg $0x0  }
0xa9: {  	s5 =	sshll.u32 s28, $0x1;
	[dreg:$0x2] =	wrdreg s4  }
0xaa: {  	[dreg:$0x3] =	wrdreg s5  }
0xab: {  	[dreg:$0x4] =	wrdreg $0xC0  }
0xac: {  	_ =	task [dreg:s8], $0x5FFFF  }
0xad: {  	[dreg:$0x1] =	wrdreg $0xFFFFFFFF  }
0xae: {  	[dreg:$0x0] =	wrdreg $0x60  }
0xaf: {  	[dreg:$0x2] =	wrdreg s2  }
0xb0: {  	[dreg:$0x3] =	wrdreg s19  }
0xb1: {  	[dreg:$0x4] =	wrdreg $0xC8000  }
0xb2: {  	[dreg:$0x5] =	wrdreg $0x9  }
0xb3: {  	_ =	task.clear_ibuf [dreg:s8], $0x6FFFF;
	_ =	strace $0x90000046  }
0xb4: {  	s29 =	simm.s32 $0x9;
	_ =	strace $0x80000048  }
0xb5: {  	_ =	swait.ge [sflag:s29], $0x1  }
0xb6: {  	[sflag:s29] =	ssyncadd.s32 $0xFFFFFFFF  }
0xb7: {  	_ =	strace $0x90000048  }
0xb8: {  	_ =	sfence  }
0xb9: {  	s30 =	sld [smem:$0x0];
	_ =	sdelay $0x2  }
0xba: {  	s31 =	sshll.u32 s1, $0xD;
	s1 =	sshrl.u32 s1, $0x2  }
0xbb: {  	s3 =	sand.u32 $0x4000, s31;
	s1 =	sadd.s32 s1, s30  }
0xbc: {  	s0 =	sor.u32 s3, s0;
	s1 =	sshll.u32 s1, $0x11  }
0xbd: {  	s0 =	sor.u32 s1, s0  }
0xbe: {  	s0 =	sadd.s32 $0x8F2B, s0  }
0xbf: {  	[sflag:s0] =	ssyncadd.remote.s32 $0x1  }
0xc0: {  	_ =	sfence.sel $0xFFFF  }
0xc1: {  	[dreg:$0x0] =	wrdreg $0xFFFFFFFF;
	(pc) =	sbr.abs _section_cstart, $3  }
0xc2: {  	[dreg:$0x1] =	wrdreg $0xFFFFFFFF  }
0xc3: {  	_ =	task.clear_ibuf [dreg:s8], $0x2FFFF;
	_ =	strace $0x9FFFFFFF  }
0xc4: {  	(tm) =	ssettm $0x7FFFFFFF  }
0xc5: {  	_ =	shalt  }
tec
execute0_lowered:
.L_overlay_start_1:
0x0: {  	(tag) =	ssettag $0x1  }
0x1: {  	s0 =	srdreg.scid;
	s3 =	stileid.u32  }
0x2: {  	s1 =	sshll.u32 s3, $0x1;
	s2 =	sor.u32 $0x7FFFE, s0  }
0x3: {  	s1 =	sadd.s32 s2, s1  }
0x4: {  	s5 =	rddreg [dreg:$0x0];
	s1 =	smul.u32 $0x32000, s1  }
0x5: {  	s4 =	rddreg [dreg:$0x1];
	s2 =	sand.u32 $0x1, s0;
	s0 =	simm.s32 $0x0  }
0x6: {  	p0 =	sne.s32 s3, $0x0;
	[smem:$0x7FF] =	sst s0;
	s7 =	sadd.s32 $0x3E8000, s1  }
0x7: {  	s6 =	ssub.s32 $0x2, s2;
	s15 =	sadd.s32 $0x3EB200, s1;
	s9 =	sadd.s32 $0x3EE400, s1  }
0x8: {  	s8 =	sshrl.u32 s6, $0x1;
	s10 =	sadd.s32 $0x3F1600, s1;
	s18 =	sadd.s32 $0x3F4800, s1  }
0x9: {  	s6 =	ssub.s32 s6, s8;
	s20 =	sadd.s32 $0x3F7A00, s1;
	s21 =	sadd.s32 $0x3FAC00, s1  }
0xa: {  	s25 =	sadd.s32 $0x3FDE00, s1;
	s26 =	sadd.s32 $0x401000, s1;
	s7 =	sshrl.u32 s7, $0x3  }
0xb: {  	s13 =	sadd.s32 $0x407400, s1;
	s8 =	sshrl.u32 s15, $0x3;
	s14 =	sadd.s32 s5, s7  }
0xc: {  	s9 =	sshrl.u32 s9, $0x3;
	s11 =	sadd.s32 s5, s8;
	[dreg:$0x4] =	wrdreg s14  }
0xd: {  	s10 =	sshrl.u32 s10, $0x3;
	s16 =	sadd.s32 s5, s9;
	[dreg:$0x5] =	wrdreg s11  }
0xe: {  	s19 =	sshrl.u32 s18, $0x3;
	s17 =	sadd.s32 s5, s10;
	[dreg:$0x6] =	wrdreg s16  }
0xf: {  	s23 =	sshrl.u32 s21, $0x3;
	s7 =	sadd.s32 s4, s7;
	[dreg:$0x7] =	wrdreg s17  }
0x10: {  	s28 =	sshrl.u32 s26, $0x3;
	s12 =	sadd.s32 s5, s19;
	[dreg:$0x8] =	wrdreg s7  }
0x11: {  	s15 =	sadd.s32 $0x40A600, s1;
	s8 =	sadd.s32 s4, s8;
	[dreg:$0x9] =	wrdreg s12  }
0x12: {  	s21 =	sadd.s32 $0x410A00, s1;
	s9 =	sadd.s32 s4, s9;
	[dreg:$0xa] =	wrdreg s8  }
0x13: {  	s3 =	smax.u32 s6, $0x1;
	s24 =	sadd.s32 s5, s23;
	[dreg:$0xc] =	wrdreg s9  }
0x14: {  	s6 =	simm.s32 $0x9;
	s10 =	sadd.s32 s4, s10;
	[dreg:$0xd] =	wrdreg s24  }
0x15: {  	s18 =	sadd.s32 s5, s28;
	s11 =	sshrl.u32 s20, $0x3;
	[dreg:$0xe] =	wrdreg s10  }
0x16: {  	s9 =	sshrl.u32 s25, $0x3;
	s7 =	sadd.s32 s4, s19;
	[dreg:$0x14] =	wrdreg s18  }
0x17: {  	s12 =	sadd.s32 $0x404200, s1;
	s8 =	sadd.s32 s4, s23;
	[dreg:$0xf] =	wrdreg s7  }
0x18: {  	s14 =	sshrl.u32 s13, $0x3;
	s22 =	sadd.s32 s5, s11;
	[dreg:$0x11] =	wrdreg s8  }
0x19: {  	s17 =	sshrl.u32 s15, $0x3;
	s11 =	sadd.s32 s4, s11;
	[dreg:$0xb] =	wrdreg s22  }
0x1a: {  	s19 =	sadd.s32 $0x40D800, s1;
	s16 =	sadd.s32 s5, s9;
	[dreg:$0x10] =	wrdreg s11  }
0x1b: {  	s23 =	sadd.s32 $0x413C00, s1;
	s9 =	sadd.s32 s4, s9;
	[dreg:$0x12] =	wrdreg s16  }
0x1c: {  	s1 =	sadd.s32 $0x416E00, s1;
	s7 =	sadd.s32 s4, s28;
	[dreg:$0x13] =	wrdreg s9  }
0x1d: {  	s10 =	sshrl.u32 s12, $0x3;
	s24 =	sadd.s32 s5, s14;
	[dreg:$0x15] =	wrdreg s7  }
0x1e: {  	s8 =	sadd.s32 s4, s14;
	s25 =	sshrl.u32 s23, $0x3;
	[dreg:$0x18] =	wrdreg s24  }
0x1f: {  	s26 =	sadd.s32 s5, s17;
	s28 =	sshrl.u32 s1, $0x3;
	[dreg:$0x19] =	wrdreg s8  }
0x20: {  	s7 =	sshrl.u32 s19, $0x3;
	s20 =	sadd.s32 s5, s10;
	[dreg:$0x1a] =	wrdreg s26  }
0x21: {  	s30 =	sadd.s32 s5, s25;
	s31 =	sadd.s32 s4, s25;
	s25 =	rddreg [dreg:$0x2]  }
0x22: {  	s10 =	sadd.s32 s4, s10;
	s22 =	sshrl.u32 s21, $0x3;
	[dreg:$0x16] =	wrdreg s20  }
0x23: {  	s9 =	sadd.s32 s4, s17;
	s11 =	smul.u32 $0x1F4000, s2;
	[dreg:$0x17] =	wrdreg s10  }
0x24: {  	s1 =	sadd.s32 s5, s28;
	s2 =	sadd.s32 s4, s28;
	[dreg:$0x1c] =	wrdreg s9  }
0x25: {  	s12 =	sadd.s32 s5, s7;
	s13 =	sadd.s32 s4, s7;
	s14 =	sadd.s32 s5, s22  }
0x26: {  	s29 =	sadd.s32 s4, s22;
	s28 =	sadd.s32 $0x64000, s25;
	[smem:$0x7F5] =	sst s12  }
0x27: {  	s9 =	simm.s32 $0xD;
	s10 =	simm.s32 $0xB;
	[smem:$0x7F6] =	sst s13  }
0x28: {  	[smem:$0x7F7] =	sst s14;
	s15 =	sshrl.u32 s11, $0x3;
	s11 =	simm.s32 $0xE  }
0x29: {  	s12 =	simm.s32 $0x3200;
	s13 =	simm.s32 $0x6400;
	s14 =	simm.s32 $0x9600  }
0x2a: {  	s16 =	sadd.s32 $0xC800, s15;
	s18 =	sadd.s32 s5, s15;
	s19 =	sadd.s32 $0x19000, s15  }
0x2b: {  	s20 =	sadd.s32 s4, s15;
	s21 =	sadd.s32 $0x25800, s15;
	[dreg:$0x1e] =	wrdreg s18  }
0x2c: {  	s7 =	sadd.s32 $0x32000, s15;
	s17 =	sadd.s32 s5, s16;
	[dreg:$0x1f] =	wrdreg s20  }
0x2d: {  	s15 =	simm.s32 $0x1;
	s8 =	sadd.s32 s4, s16;
	[dreg:$0x1b] =	wrdreg s17  }
0x2e: {  	s22 =	sadd.s32 s5, s19;
	s23 =	sadd.s32 s5, s21;
	[dreg:$0x1d] =	wrdreg s8  }
0x2f: {  	s5 =	sadd.s32 s5, s7;
	s24 =	sadd.s32 s4, s19;
	[smem:$0x7F8] =	sst s22  }
0x30: {  	s26 =	sadd.s32 s4, s21;
	s4 =	sadd.s32 s4, s7;
	[smem:$0x7F9] =	sst s23  }
0x31: {  	s7 =	simm.s32 $0xC;
	s16 =	simm.s32 $0x5;
	[smem:$0x7FA] =	sst s5  }
.Ltmp0:
0x32: {  	s18 =	simm.s32 $0x6;
	[smem:$0x7FB] =	sst s24;
	(pc) =	sbr.rel .LBB2_1-.Ltmp0, $4  }
0x33: {  	s19 =	simm.s32 $0x3;
	s20 =	simm.s32 $0x7;
	[smem:$0x7FC] =	sst s26  }
0x34: {  	s21 =	simm.s32 $0x4;
	[smem:$0x7FD] =	sst s4;
	s4 =	sshrl.u32 s28, $0x3  }
0x35: {  	s5 =	sadd.s32 $0xC8000, s25;
	s8 =	simm.s32 $0xA;
	s17 =	simm.s32 $0x2  }
0x36: {  	s22 =	simm.s32 $0x8;
	_ =	strace $0x80000047;
	s5 =	sshrl.u32 s5, $0x3  }
.LBB2_3:
0x37: {  	s23 =	rddreg [dreg:$0x4]  }
0x38: {  	[tilespmem:s0], [sflag:$0x1] =	stream.linear.gather [hbm4b:s23+s0], $0x3200, $0x38;
	[tilespmem:$0x1F400] =	vst v63  }
0x39: {  	s26 =	rddreg [dreg:$0x5]  }
0x3a: {  	[tilespmem:s12], [sflag:$0x2] =	stream.linear.gather [hbm4b:s26+s0], $0x3200, $0x38;
	[tilespmem:$0x1F400] =	vst v63  }
0x3b: {  	s28 =	rddreg [dreg:$0x6]  }
0x3c: {  	[tilespmem:s13], [sflag:$0x3] =	stream.linear.gather [hbm4b:s28+s0], $0x3200, $0x38;
	[tilespmem:$0x1F400] =	vst v63  }
0x3d: {  	s24 =	rddreg [dreg:$0x7]  }
0x3e: {  	[tilespmem:s14], [sflag:$0x4] =	stream.linear.gather [hbm4b:s24+s0], $0x3200, $0x38;
	[tilespmem:$0x1F400] =	vst v63  }
0x3f: {  	_ =	swait.ge [sflag:s15], $0x3200  }
0x40: {  	[sflag:s15] =	ssyncset.done $0x0  }
0x41: {  	s25 =	rddreg [dreg:$0x8];
	[sflag:s15] =	ssyncadd.s32 $0xFFFFCE00  }
0x42: {  	[hbm4b:s25+s0] =	stream.linear.scatter [tilespmem:s0], [sflag:$0x5], $0x3200, $0x38;
	[tilespmem:$0x1F400] =	vst v63  }
0x43: {  	_ =	swait.ge [sflag:s16], $0x3200  }
0x44: {  	[sflag:s16] =	ssyncset.done $0x0  }
0x45: {  	s26 =	rddreg [dreg:$0x9];
	[sflag:s16] =	ssyncadd.s32 $0xFFFFCE00  }
0x46: {  	[tilespmem:s0], [sflag:$0x1] =	stream.linear.gather [hbm4b:s26+s0], $0x3200, $0x38;
	[tilespmem:$0x1F400] =	vst v63  }
0x47: {  	_ =	swait.ge [sflag:s17], $0x3200  }
0x48: {  	[sflag:s17] =	ssyncset.done $0x0  }
0x49: {  	s28 =	rddreg [dreg:$0xa];
	[sflag:s17] =	ssyncadd.s32 $0xFFFFCE00  }
0x4a: {  	[hbm4b:s28+s0] =	stream.linear.scatter [tilespmem:s12], [sflag:$0x6], $0x3200, $0x38;
	[tilespmem:$0x1F400] =	vst v63  }
0x4b: {  	_ =	swait.ge [sflag:s18], $0x3200  }
0x4c: {  	[sflag:s18] =	ssyncset.done $0x0  }
0x4d: {  	s24 =	rddreg [dreg:$0xb];
	[sflag:s18] =	ssyncadd.s32 $0xFFFFCE00  }
0x4e: {  	[tilespmem:s12], [sflag:$0x2] =	stream.linear.gather [hbm4b:s24+s0], $0x3200, $0x38;
	[tilespmem:$0x1F400] =	vst v63  }
0x4f: {  	_ =	swait.ge [sflag:s19], $0x3200  }
0x50: {  	[sflag:s19] =	ssyncset.done $0x0  }
0x51: {  	s25 =	rddreg [dreg:$0xc];
	[sflag:s19] =	ssyncadd.s32 $0xFFFFCE00  }
0x52: {  	[hbm4b:s25+s0] =	stream.linear.scatter [tilespmem:s13], [sflag:$0x7], $0x3200, $0x38;
	[tilespmem:$0x1F400] =	vst v63  }
0x53: {  	_ =	swait.ge [sflag:s20], $0x3200  }
0x54: {  	[sflag:s20] =	ssyncset.done $0x0  }
0x55: {  	s26 =	rddreg [dreg:$0xd];
	[sflag:s20] =	ssyncadd.s32 $0xFFFFCE00  }
0x56: {  	[tilespmem:s13], [sflag:$0x3] =	stream.linear.gather [hbm4b:s26+s0], $0x3200, $0x38;
	[tilespmem:$0x1F400] =	vst v63  }
0x57: {  	_ =	swait.ge [sflag:s21], $0x3200  }
0x58: {  	[sflag:s21] =	ssyncset.done $0x0  }
0x59: {  	s28 =	rddreg [dreg:$0xe];
	[sflag:s21] =	ssyncadd.s32 $0xFFFFCE00  }
0x5a: {  	[hbm4b:s28+s0] =	stream.linear.scatter [tilespmem:s14], [sflag:$0x8], $0x3200, $0x38;
	[tilespmem:$0x1F400] =	vst v63  }
0x5b: {  	_ =	swait.ge [sflag:s22], $0x3200  }
0x5c: {  	[sflag:s22] =	ssyncset.done $0x0  }
0x5d: {  	s24 =	rddreg [dreg:$0x12];
	[sflag:s22] =	ssyncadd.s32 $0xFFFFCE00  }
0x5e: {  	[tilespmem:s14], [sflag:$0x4] =	stream.linear.gather [hbm4b:s24+s0], $0x3200, $0x38;
	[tilespmem:$0x1F400] =	vst v63  }
0x5f: {  	_ =	swait.ge [sflag:s15], $0x3200  }
0x60: {  	[sflag:s15] =	ssyncset.done $0x0  }
0x61: {  	s25 =	rddreg [dreg:$0xf];
	[sflag:s15] =	ssyncadd.s32 $0xFFFFCE00  }
0x62: {  	[hbm4b:s25+s0] =	stream.linear.scatter [tilespmem:s0], [sflag:$0x5], $0x3200, $0x38;
	[tilespmem:$0x1F400] =	vst v63  }
0x63: {  	_ =	swait.ge [sflag:s16], $0x3200  }
0x64: {  	[sflag:s16] =	ssyncset.done $0x0  }
0x65: {  	s26 =	rddreg [dreg:$0x14];
	[sflag:s16] =	ssyncadd.s32 $0xFFFFCE00  }
0x66: {  	[tilespmem:s0], [sflag:$0x1] =	stream.linear.gather [hbm4b:s26+s0], $0x3200, $0x38;
	[tilespmem:$0x1F400] =	vst v63  }
0x67: {  	_ =	swait.ge [sflag:s17], $0x3200  }
0x68: {  	[sflag:s17] =	ssyncset.done $0x0  }
0x69: {  	s28 =	rddreg [dreg:$0x10];
	[sflag:s17] =	ssyncadd.s32 $0xFFFFCE00  }
0x6a: {  	[hbm4b:s28+s0] =	stream.linear.scatter [tilespmem:s12], [sflag:$0x6], $0x3200, $0x38;
	[tilespmem:$0x1F400] =	vst v63  }
0x6b: {  	_ =	swait.ge [sflag:s18], $0x3200  }
0x6c: {  	[sflag:s18] =	ssyncset.done $0x0  }
0x6d: {  	s24 =	rddreg [dreg:$0x16];
	[sflag:s18] =	ssyncadd.s32 $0xFFFFCE00  }
0x6e: {  	[tilespmem:s12], [sflag:$0x2] =	stream.linear.gather [hbm4b:s24+s0], $0x3200, $0x38;
	[tilespmem:$0x1F400] =	vst v63  }
0x6f: {  	_ =	swait.ge [sflag:s19], $0x3200  }
0x70: {  	[sflag:s19] =	ssyncset.done $0x0  }
0x71: {  	s25 =	rddreg [dreg:$0x11];
	[sflag:s19] =	ssyncadd.s32 $0xFFFFCE00  }
0x72: {  	[hbm4b:s25+s0] =	stream.linear.scatter [tilespmem:s13], [sflag:$0x7], $0x3200, $0x38;
	[tilespmem:$0x1F400] =	vst v63  }
0x73: {  	_ =	swait.ge [sflag:s20], $0x3200  }
0x74: {  	[sflag:s20] =	ssyncset.done $0x0  }
0x75: {  	s26 =	rddreg [dreg:$0x18];
	[sflag:s20] =	ssyncadd.s32 $0xFFFFCE00  }
0x76: {  	[tilespmem:s13], [sflag:$0x3] =	stream.linear.gather [hbm4b:s26+s0], $0x3200, $0x38;
	[tilespmem:$0x1F400] =	vst v63  }
0x77: {  	_ =	swait.ge [sflag:s21], $0x3200  }
0x78: {  	[sflag:s21] =	ssyncset.done $0x0  }
0x79: {  	s28 =	rddreg [dreg:$0x13];
	[sflag:s21] =	ssyncadd.s32 $0xFFFFCE00  }
0x7a: {  	[hbm4b:s28+s0] =	stream.linear.scatter [tilespmem:s14], [sflag:$0x8], $0x3200, $0x38;
	[tilespmem:$0x1F400] =	vst v63  }
0x7b: {  	_ =	swait.ge [sflag:s22], $0x3200  }
0x7c: {  	[sflag:s22] =	ssyncset.done $0x0  }
0x7d: {  	s24 =	rddreg [dreg:$0x1a];
	[sflag:s22] =	ssyncadd.s32 $0xFFFFCE00  }
0x7e: {  	[tilespmem:s14], [sflag:$0x4] =	stream.linear.gather [hbm4b:s24+s0], $0x3200, $0x38;
	[tilespmem:$0x1F400] =	vst v63  }
0x7f: {  	_ =	swait.ge [sflag:s15], $0x3200  }
0x80: {  	[sflag:s15] =	ssyncset.done $0x0  }
0x81: {  	s25 =	rddreg [dreg:$0x15];
	[sflag:s15] =	ssyncadd.s32 $0xFFFFCE00  }
0x82: {  	[hbm4b:s25+s0] =	stream.linear.scatter [tilespmem:s0], [sflag:$0x5], $0x3200, $0x38;
	[tilespmem:$0x1F400] =	vst v63  }
0x83: {  	_ =	swait.ge [sflag:s16], $0x3200  }
0x84: {  	s26 =	sld [smem:$0x7F5]  }
0x85: {  	[sflag:s16] =	ssyncset.done $0x0  }
0x86: {  	[sflag:s16] =	ssyncadd.s32 $0xFFFFCE00  }
0x87: {  	[tilespmem:s0], [sflag:$0x1] =	stream.linear.gather [hbm4b:s26+s0], $0x3200, $0x38;
	[tilespmem:$0x1F400] =	vst v63  }
0x88: {  	_ =	swait.ge [sflag:s17], $0x3200  }
0x89: {  	[sflag:s17] =	ssyncset.done $0x0  }
0x8a: {  	s28 =	rddreg [dreg:$0x17];
	[sflag:s17] =	ssyncadd.s32 $0xFFFFCE00  }
0x8b: {  	[hbm4b:s28+s0] =	stream.linear.scatter [tilespmem:s12], [sflag:$0x6], $0x3200, $0x38;
	[tilespmem:$0x1F400] =	vst v63  }
0x8c: {  	_ =	swait.ge [sflag:s18], $0x3200  }
0x8d: {  	s24 =	sld [smem:$0x7F7]  }
0x8e: {  	[sflag:s18] =	ssyncset.done $0x0  }
0x8f: {  	[sflag:s18] =	ssyncadd.s32 $0xFFFFCE00  }
0x90: {  	[tilespmem:s12], [sflag:$0x2] =	stream.linear.gather [hbm4b:s24+s0], $0x3200, $0x38;
	[tilespmem:$0x1F400] =	vst v63  }
0x91: {  	_ =	swait.ge [sflag:s19], $0x3200  }
0x92: {  	[sflag:s19] =	ssyncset.done $0x0  }
0x93: {  	s25 =	rddreg [dreg:$0x19];
	[sflag:s19] =	ssyncadd.s32 $0xFFFFCE00  }
0x94: {  	[hbm4b:s25+s0] =	stream.linear.scatter [tilespmem:s13], [sflag:$0x7], $0x3200, $0x38;
	[tilespmem:$0x1F400] =	vst v63  }
0x95: {  	_ =	swait.ge [sflag:s20], $0x3200  }
0x96: {  	[sflag:s20] =	ssyncset.done $0x0  }
0x97: {  	[sflag:s20] =	ssyncadd.s32 $0xFFFFCE00  }
0x98: {  	[tilespmem:s13], [sflag:$0x3] =	stream.linear.gather [hbm4b:s30+s0], $0x3200, $0x38;
	[tilespmem:$0x1F400] =	vst v63  }
0x99: {  	_ =	swait.ge [sflag:s21], $0x3200  }
0x9a: {  	[sflag:s21] =	ssyncset.done $0x0  }
0x9b: {  	s26 =	rddreg [dreg:$0x1c];
	[sflag:s21] =	ssyncadd.s32 $0xFFFFCE00  }
0x9c: {  	[hbm4b:s26+s0] =	stream.linear.scatter [tilespmem:s14], [sflag:$0x8], $0x3200, $0x38;
	[tilespmem:$0x1F400] =	vst v63  }
0x9d: {  	_ =	swait.ge [sflag:s22], $0x3200  }
0x9e: {  	[sflag:s22] =	ssyncset.done $0x0  }
0x9f: {  	[sflag:s22] =	ssyncadd.s32 $0xFFFFCE00  }
0xa0: {  	[tilespmem:s14], [sflag:$0x4] =	stream.linear.gather [hbm4b:s1+s0], $0x3200, $0x38;
	[tilespmem:$0x1F400] =	vst v63  }
0xa1: {  	_ =	swait.ge [sflag:s15], $0x3200  }
0xa2: {  	s28 =	sld [smem:$0x7F6]  }
0xa3: {  	[sflag:s15] =	ssyncset.done $0x0  }
0xa4: {  	[sflag:s15] =	ssyncadd.s32 $0xFFFFCE00  }
0xa5: {  	[hbm4b:s28+s0] =	stream.linear.scatter [tilespmem:s0], [sflag:$0x5], $0x3200, $0x38;
	[tilespmem:$0x1F400] =	vst v63  }
0xa6: {  	_ =	swait.ge [sflag:s17], $0x3200  }
0xa7: {  	[sflag:s17] =	ssyncset.done $0x0  }
0xa8: {  	[sflag:s17] =	ssyncadd.s32 $0xFFFFCE00  }
0xa9: {  	[hbm4b:s29+s0] =	stream.linear.scatter [tilespmem:s12], [sflag:$0x6], $0x3200, $0x38;
	[tilespmem:$0x1F400] =	vst v63  }
0xaa: {  	_ =	swait.ge [sflag:s19], $0x3200  }
0xab: {  	[sflag:s19] =	ssyncset.done $0x0  }
0xac: {  	[sflag:s19] =	ssyncadd.s32 $0xFFFFCE00  }
0xad: {  	[hbm4b:s31+s0] =	stream.linear.scatter [tilespmem:s13], [sflag:$0x7], $0x3200, $0x38;
	[tilespmem:$0x1F400] =	vst v63  }
0xae: {  	_ =	swait.ge [sflag:s21], $0x3200  }
0xaf: {  	[sflag:s21] =	ssyncset.done $0x0  }
0xb0: {  	[sflag:s21] =	ssyncadd.s32 $0xFFFFCE00  }
0xb1: {  	[hbm4b:s2+s0] =	stream.linear.scatter [tilespmem:s14], [sflag:$0x8], $0x3200, $0x38;
	[tilespmem:$0x1F400] =	vst v63  }
0xb2: {  	_ =	swait.ge [sflag:s16], $0x3200  }
0xb3: {  	[sflag:s16] =	ssyncset.done $0x0  }
0xb4: {  	[sflag:s16] =	ssyncadd.s32 $0xFFFFCE00  }
0xb5: {  	_ =	swait.ge [sflag:s18], $0x3200  }
0xb6: {  	[sflag:s18] =	ssyncset.done $0x0  }
0xb7: {  	[sflag:s18] =	ssyncadd.s32 $0xFFFFCE00  }
0xb8: {  	_ =	swait.ge [sflag:s20], $0x3200  }
0xb9: {  	[sflag:s20] =	ssyncset.done $0x0  }
0xba: {  	[sflag:s20] =	ssyncadd.s32 $0xFFFFCE00  }
0xbb: {  	_ =	swait.ge [sflag:s22], $0x3200  }
0xbc: {  	[sflag:s22] =	ssyncset.done $0x0  }
0xbd: {  	[sflag:s22] =	ssyncadd.s32 $0xFFFFCE00  }
.LBB2_4:
0xbe: {  	s3 =	sadd.s32 $0xFFFFFFFF, s3  }
0xbf: {  	p1 =	sne.s32 s3, $0x0  }
.Ltmp1:
0xc0: {  	_ = 	snop;
	(pc) =	sbr.rel @!p1 .LBB2_5-.Ltmp1, $1  }
0xc1: {  	_ =	sdelay $0x3  }
.LBB2_1:
.Ltmp2:
0xc2: {  	(pc) =	sbr.rel @p0 .LBB2_3-.Ltmp2, $1  }
0xc3: {  	_ =	sdelay $0x3  }
0xc4: {  	s23 =	rddreg [dreg:$0x2]  }
0xc5: {  	s24 =	rddreg [dreg:$0x1e];
	s25 =	simm.s32 $0x1C09;
	s23 =	sshrl.u32 s23, $0x3  }
0xc6: {  	[spmem:s23], [sflag:s25] =	dma.local [hbm:s24], $0xC800  }
0xc7: {  	s26 =	simm.s32 $0x1C0A;
	s24 =	rddreg [dreg:$0x1b]  }
0xc8: {  	[spmem:s4], [sflag:s26] =	dma.local [hbm:s24], $0xC800  }
0xc9: {  	s24 =	sld [smem:$0x7F8];
	_ =	sdelay $0x1  }
0xca: {  	s28 =	simm.s32 $0x1C0B  }
0xcb: {  	[spmem:s5], [sflag:s28] =	dma.local [hbm:s24], $0xC800  }
0xcc: {  	_ =	swait.ge [sflag:s6], $0xC800  }
0xcd: {  	[sflag:s6] =	ssyncset.done $0x0  }
0xce: {  	s28 =	simm.s32 $0x1C0C;
	s24 =	rddreg [dreg:$0x1f];
	[sflag:s6] =	ssyncadd.s32 $0xFFFF3800  }
0xcf: {  	[hbm:s24], [sflag:s28] =	dma.local [spmem:s23], $0xC800  }
0xd0: {  	_ =	swait.ge [sflag:s7], $0xC800  }
0xd1: {  	s24 =	sld [smem:$0x7F9]  }
0xd2: {  	[sflag:s7] =	ssyncset.done $0x0  }
0xd3: {  	[sflag:s7] =	ssyncadd.s32 $0xFFFF3800  }
0xd4: {  	[spmem:s23], [sflag:s25] =	dma.local [hbm:s24], $0xC800  }
0xd5: {  	_ =	swait.ge [sflag:s8], $0xC800  }
0xd6: {  	[sflag:s8] =	ssyncset.done $0x0  }
0xd7: {  	s25 =	simm.s32 $0x1C0D;
	s24 =	rddreg [dreg:$0x1d];
	[sflag:s8] =	ssyncadd.s32 $0xFFFF3800  }
0xd8: {  	[hbm:s24], [sflag:s25] =	dma.local [spmem:s4], $0xC800  }
0xd9: {  	_ =	swait.ge [sflag:s9], $0xC800  }
0xda: {  	s24 =	sld [smem:$0x7FA]  }
0xdb: {  	[sflag:s9] =	ssyncset.done $0x0  }
0xdc: {  	[sflag:s9] =	ssyncadd.s32 $0xFFFF3800  }
0xdd: {  	[spmem:s4], [sflag:s26] =	dma.local [hbm:s24], $0xC800  }
0xde: {  	_ =	swait.ge [sflag:s10], $0xC800  }
0xdf: {  	s24 =	sld [smem:$0x7FB]  }
0xe0: {  	[sflag:s10] =	ssyncset.done $0x0  }
0xe1: {  	s26 =	simm.s32 $0x1C0E;
	[sflag:s10] =	ssyncadd.s32 $0xFFFF3800  }
0xe2: {  	[hbm:s24], [sflag:s26] =	dma.local [spmem:s5], $0xC800  }
0xe3: {  	_ =	swait.ge [sflag:s6], $0xC800  }
0xe4: {  	s26 =	sld [smem:$0x7FC]  }
0xe5: {  	[sflag:s6] =	ssyncset.done $0x0  }
0xe6: {  	[sflag:s6] =	ssyncadd.s32 $0xFFFF3800  }
0xe7: {  	[hbm:s26], [sflag:s28] =	dma.local [spmem:s23], $0xC800  }
0xe8: {  	_ =	swait.ge [sflag:s8], $0xC800  }
0xe9: {  	s28 =	sld [smem:$0x7FD]  }
0xea: {  	[sflag:s8] =	ssyncset.done $0x0  }
0xeb: {  	[sflag:s8] =	ssyncadd.s32 $0xFFFF3800  }
0xec: {  	[hbm:s28], [sflag:s25] =	dma.local [spmem:s4], $0xC800  }
0xed: {  	_ =	swait.ge [sflag:s11], $0xC800  }
0xee: {  	[sflag:s11] =	ssyncset.done $0x0  }
0xef: {  	[sflag:s11] =	ssyncadd.s32 $0xFFFF3800  }
0xf0: {  	_ =	swait.ge [sflag:s7], $0xC800  }
.Ltmp3:
0xf1: {  	[sflag:s7] =	ssyncset.done $0x0;
	(pc) =	sbr.rel .LBB2_4-.Ltmp3, $4  }
0xf2: {  	[sflag:s7] =	ssyncadd.s32 $0xFFFF3800  }
0xf3: {  	_ =	swait.ge [sflag:s9], $0xC800  }
0xf4: {  	[sflag:s9] =	ssyncset.done $0x0  }
0xf5: {  	[sflag:s9] =	ssyncadd.s32 $0xFFFF3800  }
.LBB2_5:
0xf6: {  	_ =	sfence.sel $0x180000  }
0xf7: {  	[bflag:$0x0] =	sbarrier.arrive $0xFFFF  }
0xf8: {  	_ =	strace $0x90000047  }
0xf9: {  	[bflag:$0x2] =	sbarrier.arrive $0xFFFF  }
0xfa: {  	s0 =	rddreg [dreg:$0x3]  }
0xfb: {  	s0 =	sadd.s32 @!p0 $0x100000, s0  }
0xfc: {  	[sflag:s0] =	ssyncadd.tile.s32 @!p0 $0x1;
	_ =	shalt  }
.Lfunc_end2:
_tile_overlayer_lowered:
.L_overlay_start_2:
0xfd: {  	(tag) =	ssettag $0x2  }
0xfe: {  	s0 =	rddreg [dreg:$0x0];
	s2 =	stileid.u32  }
0xff: {  	s1 =	rddreg [dreg:$0x1];
	p0 =	sne.s32 s2, $0x0  }
0x100: {  	s3 =	rddreg [dreg:$0x2];
	[bflag:$0x3] =	sbarrier.arrive $0xFFFF;
	s2 =	simm.s32 @!p0 $0x1C0F  }
0x101: {  	[timem:s3], [sflag:s2] =	dma.local @!p0 [hbm:s0], s1  }
0x102: {  	s0 =	simm.s32 @!p0 $0xF  }
0x103: {  	_ =	swait.ge @!p0 [sflag:s0], s1  }
0x104: {  	s1 =	ssub.s32 @!p0 $0x0, s1;
	[sflag:s0] =	ssyncset.done @!p0 $0x0  }
0x105: {  	[sflag:s0] =	ssyncadd.s32 @!p0 s1  }
0x106: {  	[bflag:$0x3] =	sbarrier.arrive $0xFFFF  }
0x107: {  	_ =	shalt  }

</sc_bundles>
